<compile_context>
chip_gen: v7x
topology: tpu7x:2x2x1
jax: 0.10.2.dev20260603
libtpu: 0.0.44.dev20260713+nightly
codegen_flags: <defaults>
</compile_context>

<pallas_src>
import jax
import jax.numpy as jnp
from jax import lax
from jax.experimental import pallas as pl
from jax.experimental.pallas import tpu as pltpu
from jax.experimental.pallas import tpu_sc as plsc

_C, _H, _W = 9, 180, 240
_WH = _W * _H
_HP = 128
_EV_CHUNK = 16384

_EC = 5000
_ZB = 6480


def _tc_body(t_ref, w1_ref, b1s_ref, w2_ref, b2_ref, w3_ref, b3_ref,
             *o_refs):
    t = t_ref[...][None, :]
    w1 = w1_ref[...]
    w2 = w2_ref[...]
    b2 = b2_ref[...]
    w3 = w3_ref[...]
    b3 = b3_ref[0, 0]
    g = w1 * t
    for i in range(_C):
        h1 = g + b1s_ref[:, i:i + 1]
        h1 = jnp.maximum(h1, 0.1 * h1)
        h2 = jnp.dot(w2, h1, preferred_element_type=jnp.float32) + b2
        h2 = jnp.maximum(h2, 0.1 * h2)
        o = jnp.sum(h2 * w3, axis=0, keepdims=True) + b3
        o_refs[i][...] = (t * o)[0]


def _tc_values(t1d, w1p, b1p, w2p, b2p, w3p, b3p):
    nev = t1d.shape[0]
    chunk = _EV_CHUNK
    nblk = pl.cdiv(nev, chunk)
    return pl.pallas_call(
        _tc_body,
        grid=(nblk,),
        in_specs=[
            pl.BlockSpec((chunk,), lambda i: (i,)),
            pl.BlockSpec((_HP, 1), lambda i: (0, 0)),
            pl.BlockSpec((_HP, _C), lambda i: (0, 0)),
            pl.BlockSpec((_HP, _HP), lambda i: (0, 0)),
            pl.BlockSpec((_HP, 1), lambda i: (0, 0)),
            pl.BlockSpec((_HP, 1), lambda i: (0, 0)),
            pl.BlockSpec((1, 1), lambda i: (0, 0)),
        ],
        out_specs=[pl.BlockSpec((chunk,), lambda i: (i,))
                   for _ in range(_C)],
        out_shape=[jax.ShapeDtypeStruct((nev,), jnp.float32)
                   for _ in range(_C)],
    )(t1d, w1p, b1p, w2p, b2p, w3p, b3p)


def _sc_scatter(x1d, y1d, p1d, vals, num_voxels, half):
    nev = x1d.shape[0]
    ev_per_core = nev // 2
    ev_per_tile = ev_per_core // 16
    n_chunks = ev_per_tile // _EC
    nfull = _EC // 16
    has_tail = (_EC % 16) != 0
    gwords = half // 16
    mesh = plsc.VectorSubcoreMesh(core_axis_name="c", subcore_axis_name="s")

    def body(x_hbm, y_hbm, p_hbm, *rest):
        v_hbms = rest[:_C]
        out_hbm = rest[_C]
        (x_v, y_v, p_v, idx_v, val_v, zb_v, grid_s) = rest[_C + 1:]
        cid = lax.axis_index("c")
        sid = lax.axis_index("s")

        def zf(i, carry):
            zb_v[pl.ds(i * 16, 16)] = jnp.zeros((16,), jnp.float32)
            return carry
        lax.fori_loop(0, _ZB // 16, zf, 0)
        gbase = sid * gwords

        def zc(j, carry):
            pltpu.sync_copy(zb_v, grid_s.at[pl.ds(gbase + j * _ZB, _ZB)])
            return carry
        lax.fori_loop(0, gwords // _ZB, zc, 0)
        plsc.subcore_barrier()

        ebase = cid * ev_per_core + sid * ev_per_tile
        batch = cid * 2 + sid // 8
        bterm = batch.astype(jnp.float32) * 777600.0
        loc = cid * half

        def base_of(s):
            xx = x_v[pl.ds(s, 16)]
            yy = y_v[pl.ds(s, 16)]
            pp = p_v[pl.ds(s, 16)]
            p2 = (pp + 1.0) * 0.5
            b = xx + 240.0 * yy
            b = b + 388800.0 * p2
            return b + bterm

        def to_idx(f, off):
            f = jnp.clip(f + off, 0.0, float(num_voxels - 1))
            return f.astype(jnp.int32) - loc

        def sc_chunk(r, carry):
            e0 = ebase + r * _EC
            pltpu.sync_copy(x_hbm.at[pl.ds(e0, _EC)], x_v)
            pltpu.sync_copy(y_hbm.at[pl.ds(e0, _EC)], y_v)
            pltpu.sync_copy(p_hbm.at[pl.ds(e0, _EC)], p_v)

            if has_tail:
                zb_v[pl.ds(0, 16)] = base_of(_EC - 16)

            def bvec(v, carry2):
                s = v * 16
                x_v[pl.ds(s, 16)] = base_of(s)
                return carry2
            lax.fori_loop(0, nfull, bvec, 0)

            for i in range(_C):
                off = float(_WH * i)

                def ivec(v, carry3):
                    s = v * 16
                    idx_v[pl.ds(s, 16)] = to_idx(x_v[pl.ds(s, 16)], off)
                    return carry3
                lax.fori_loop(0, nfull, ivec, 0)
                if has_tail:
                    idx_v[pl.ds(_EC - 16, 16)] = to_idx(zb_v[pl.ds(0, 16)],
                                                        off)
                pltpu.sync_copy(v_hbms[i].at[pl.ds(e0, _EC)], val_v)
                pltpu.sync_copy(val_v, grid_s.at[idx_v], add=True)
            return carry
        lax.fori_loop(0, n_chunks, sc_chunk, 0)
        plsc.subcore_barrier()

        def oc(j, carry):
            pltpu.sync_copy(grid_s.at[pl.ds(gbase + j * _ZB, _ZB)], zb_v)
            pltpu.sync_copy(zb_v,
                            out_hbm.at[pl.ds(cid * half + gbase + j * _ZB,
                                             _ZB)])
            return carry
        lax.fori_loop(0, gwords // _ZB, oc, 0)

    f = pl.kernel(
        body,
        out_type=jax.ShapeDtypeStruct((num_voxels,), jnp.float32),
        mesh=mesh,
        scratch_types=[
            pltpu.VMEM((_EC,), jnp.float32),
            pltpu.VMEM((_EC,), jnp.float32),
            pltpu.VMEM((_EC,), jnp.float32),
            pltpu.VMEM((_EC,), jnp.int32),
            pltpu.VMEM((_EC,), jnp.float32),
            pltpu.VMEM((_ZB,), jnp.float32),
            pltpu.VMEM_SHARED((half,), jnp.float32),
        ],
    )
    return f(x1d, y1d, p1d, *vals)


def kernel(events_list, W1, b1, W2, b2, W3, b3):
    Bn, Nn = events_list.shape[0], events_list.shape[1]
    num_voxels = 2 * _C * _H * _W * Bn
    half = num_voxels // 2

    x1d = events_list[:, :, 0].reshape(-1)
    y1d = events_list[:, :, 1].reshape(-1)
    t1d = events_list[:, :, 2].reshape(-1)
    p1d = events_list[:, :, 3].reshape(-1)
    w1p = jnp.zeros((_HP, 1), jnp.float32).at[:100, 0].set(W1[:, 0])
    cs = (jnp.arange(_C, dtype=jnp.float32) / (_C - 1))[None, :]
    b1s = (jnp.zeros((_HP, _C), jnp.float32)
           .at[:100, :].set(b1[:, None] - W1[:, 0:1] * cs))
    b1p = b1s
    w2p = jnp.zeros((_HP, _HP), jnp.float32).at[:100, :100].set(W2)
    b2p = jnp.zeros((_HP, 1), jnp.float32).at[:100, 0].set(b2)
    w3p = jnp.zeros((_HP, 1), jnp.float32).at[:100, 0].set(W3[0, :])
    b3p = b3.reshape(1, 1)

    vals = _tc_values(t1d, w1p, b1p, w2p, b2p, w3p, b3p)
    vox = _sc_scatter(x1d, y1d, p1d, vals, num_voxels, half)
    return vox.reshape(Bn, 2 * _C, _H, _W)

# --- scband reference (transcript-rebuilt; emitter-appended) ---
"""Pipeline reference for scband-quantization-layer-29119878267455 (READ-ONLY COPY).

The authoritative reference and input builder live on the scoring server;
editing this copy changes nothing except your own understanding.
"""

import jax, jax.numpy as jnp
import numpy as np

C, H, W, B, N = 9, 180, 240, 4, 200000


def setup_inputs(seed: int = 0) -> dict:
    key = jax.random.key(seed)
    ks = jax.random.split(key, 7)
    events_list = jax.random.uniform(ks[0], (B, N, 4), dtype=jnp.float32)
    W1 = jax.random.normal(ks[1], (100, 1), dtype=jnp.float32) * 0.5
    b1 = jax.random.normal(ks[2], (100,), dtype=jnp.float32) * 0.05
    W2 = jax.random.normal(ks[3], (100, 100), dtype=jnp.float32) * 0.1
    b2 = jax.random.normal(ks[4], (100,), dtype=jnp.float32) * 0.05
    W3 = jax.random.normal(ks[5], (1, 100), dtype=jnp.float32) * 0.1
    b3 = jax.random.normal(ks[6], (1,), dtype=jnp.float32) * 0.05
    return {"events_list": events_list, "W1": W1, "b1": b1, "W2": W2, "b2": b2, "W3": W3, "b3": b3}


def _value_layer(x, W1, b1, W2, b2, W3, b3):
    h = x[None, ..., None]
    h = jax.nn.leaky_relu(h @ W1.T + b1, 0.1)
    h = jax.nn.leaky_relu(h @ W2.T + b2, 0.1)
    h = h @ W3.T + b3
    return jnp.squeeze(h)


def reference(events_list, W1, b1, W2, b2, W3, b3):
    Bn, Nn = events_list.shape[0], events_list.shape[1]
    num_voxels = int(2 * C * H * W * Bn)
    x = events_list[:, :, 0].reshape(-1)
    y = events_list[:, :, 1].reshape(-1)
    t = events_list[:, :, 2].reshape(-1)
    p = events_list[:, :, 3].reshape(-1)
    b = jnp.repeat(jnp.arange(Bn, dtype=jnp.float32), Nn)
    p = (p + 1) / 2
    idx_before_bins = x + W * y + W * H * C * p + W * H * C * 2 * b
    vox = jnp.zeros((num_voxels,), dtype=jnp.float32)
    for i_bin in range(C):
        values = t * _value_layer(t - i_bin / (C - 1), W1, b1, W2, b2, W3, b3)
        idx = jnp.clip(idx_before_bins + W * H * i_bin, 0, num_voxels - 1).astype(jnp.int32)
        vox = vox.at[idx].add(values)
    vox = vox.reshape(-1, 2, C, H, W)
    vox = jnp.concatenate([vox[:, 0, ...], vox[:, 1, ...]], axis=1)
    return vox

if __name__ == "__main__":
    import jax
    _d = setup_inputs()
    print(jax.jit(kernel)(*tuple(_d.values())))

</pallas_src>

<mosaic_0001>
#map = affine_map<(d0, d1) -> (0)>
module attributes {stable_mosaic.version = 14 : i64} {
  func.func @body(%arg0: i32, %arg1: i32, %arg2: memref<800000xf32, #tpu.memory_space<hbm>>, %arg3: memref<800000xf32, #tpu.memory_space<hbm>>, %arg4: memref<800000xf32, #tpu.memory_space<hbm>>, %arg5: memref<800000xf32, #tpu.memory_space<hbm>>, %arg6: memref<800000xf32, #tpu.memory_space<hbm>>, %arg7: memref<800000xf32, #tpu.memory_space<hbm>>, %arg8: memref<800000xf32, #tpu.memory_space<hbm>>, %arg9: memref<800000xf32, #tpu.memory_space<hbm>>, %arg10: memref<800000xf32, #tpu.memory_space<hbm>>, %arg11: memref<800000xf32, #tpu.memory_space<hbm>>, %arg12: memref<800000xf32, #tpu.memory_space<hbm>>, %arg13: memref<800000xf32, #tpu.memory_space<hbm>>, %arg14: memref<3110400xf32, #tpu.memory_space<hbm>>, %arg15: memref<5000xf32, #tpu.memory_space<vmem>>, %arg16: memref<5000xf32, #tpu.memory_space<vmem>>, %arg17: memref<5000xf32, #tpu.memory_space<vmem>>, %arg18: memref<5000xi32, #tpu.memory_space<vmem>>, %arg19: memref<5000xf32, #tpu.memory_space<vmem>>, %arg20: memref<6480xf32, #tpu.memory_space<vmem>>, %arg21: memref<1555200xf32, #tpu.memory_space<vmem_shared>>) attributes {dimension_semantics = [#tpu.dimension_semantics<core_parallel>, #tpu.dimension_semantics<subcore_parallel>], iteration_bounds = array<i64: 2, 16>, scalar_prefetch = 0 : i64, scratch_operands = 7 : i64, tpu.core_type = #tpu.core_type<sc_vector_subcore>, window_params = [{transform_indices = #map}, {transform_indices = #map}, {transform_indices = #map}, {transform_indices = #map}, {transform_indices = #map}, {transform_indices = #map}, {transform_indices = #map}, {transform_indices = #map}, {transform_indices = #map}, {transform_indices = #map}, {transform_indices = #map}, {transform_indices = #map}, {transform_indices = #map}]} {
    %scan3A = arith.constant 0 : i32
    %scan3A_0 = arith.constant 0 : i32
    %scan3A_1 = arith.constant 405 : i32
    %scan3A_2 = arith.addi %scan3A_0, %scan3A_1 : i32
    %scan3A_3 = arith.constant 1 : i32
    scf.for %scan3A_52 = %scan3A_0 to %scan3A_2 step %scan3A_3  : i32 {
      %broadcast_in_dim3A = arith.constant 0.000000e+00 : f32
      %broadcast_in_dim3A_53 = vector.broadcast %broadcast_in_dim3A : f32 to vector<16xf32>
      %mul3A_54 = arith.constant 16 : i32
      %mul3A_55 = arith.muli %scan3A_52, %mul3A_54 : i32
      %swap3A = arith.index_cast %mul3A_55 : i32 to index
      %swap3A_56 = tpu.vector_load %arg20[%swap3A] {strides = array<i32>} : memref<6480xf32, #tpu.memory_space<vmem>>, vector<16xf32>,
      %swap3A_57 = vector.shape_cast %swap3A_56 : vector<16xf32> to vector<16xf32>
      %swap3A_58 = vector.shape_cast %broadcast_in_dim3A_53 : vector<16xf32> to vector<16xf32>
      tpu.vector_store %arg20[%swap3A], %swap3A_58 {strides = array<i32>} : memref<6480xf32, #tpu.memory_space<vmem>>, vector<16xf32>,
    }
    %scan3A_4 = arith.constant 405 : i32
    %mul3A = arith.constant 97200 : i32
    %mul3A_5 = arith.muli %arg1, %mul3A : i32
    %scan3A_6 = arith.constant 0 : i32
    %scan3A_7 = arith.constant 0 : i32
    %scan3A_8 = arith.constant 15 : i32
    %scan3A_9 = arith.addi %scan3A_7, %scan3A_8 : i32
    %scan3A_10 = arith.constant 1 : i32
    scf.for %scan3A_52 = %scan3A_7 to %scan3A_9 step %scan3A_10  : i32 {
      %mul3A_53 = arith.constant 6480 : i32
      %mul3A_54 = arith.muli %scan3A_52, %mul3A_53 : i32
      %add3A_55 = arith.addi %mul3A_5, %mul3A_54 : i32
      "tpu.region"() ({
        %run_scoped3A = tpu.sem_alloc : memref<!tpu.dma_semaphore, #tpu.memory_space<semaphore_mem>>
        %dma_start3A = tpu.memref_slice %arg21[%add3A_55] : memref<1555200xf32, #tpu.memory_space<vmem_shared>> -> memref<6480xf32, #tpu.memory_space<vmem_shared>>
        %dma_start3A_56 = tpu.memref_slice %arg21[%add3A_55] : memref<1555200xf32, #tpu.memory_space<vmem_shared>> -> memref<6480xf32, #tpu.memory_space<vmem_shared>>
        tpu.enqueue_dma source(%arg20 : memref<6480xf32, #tpu.memory_space<vmem>>) target(%dma_start3A_56 : memref<6480xf32, #tpu.memory_space<vmem_shared>>) target_semaphore(%run_scoped3A : memref<!tpu.dma_semaphore, #tpu.memory_space<semaphore_mem>>)
        %dma_wait3A = tpu.memref_slice %arg21[%add3A_55] : memref<1555200xf32, #tpu.memory_space<vmem_shared>> -> memref<6480xf32, #tpu.memory_space<vmem_shared>>
        %dma_wait3A_57 = tpu.memref_slice %arg21[%add3A_55] : memref<1555200xf32, #tpu.memory_space<vmem_shared>> -> memref<6480xf32, #tpu.memory_space<vmem_shared>>
        tpu.wait_dma2 semaphore(%run_scoped3A : memref<!tpu.dma_semaphore, #tpu.memory_space<semaphore_mem>>) src(%arg20 : memref<6480xf32, #tpu.memory_space<vmem>>) dst(%dma_wait3A_57 : memref<6480xf32, #tpu.memory_space<vmem_shared>>)
        tpu.yield
      }) : () -> ()
    }
    %scan3A_11 = arith.constant 15 : i32
    %barrier3A = arith.constant 0 : index
    tpu.barrier barrier_id(%barrier3A)
    %mul3A_12 = arith.constant 400000 : i32
    %mul3A_13 = arith.muli %arg0, %mul3A_12 : i32
    %mul3A_14 = arith.constant 25000 : i32
    %mul3A_15 = arith.muli %arg1, %mul3A_14 : i32
    %add3A = arith.addi %mul3A_13, %mul3A_15 : i32
    %mul3A_16 = arith.constant 2 : i32
    %mul3A_17 = arith.muli %arg0, %mul3A_16 : i32
    %jit3A = arith.constant 8 : i32
    %div3A = arith.divsi %arg1, %jit3A : i32
    %sign3A = arith.constant 0 : i32
    %sign3A_18 = arith.cmpi sgt, %arg1, %sign3A : i32
    %sign3A_19 = arith.extui %sign3A_18 : i1 to i32
    %sign3A_20 = arith.constant 0 : i32
    %sign3A_21 = arith.cmpi slt, %arg1, %sign3A_20 : i32
    %sign3A_22 = arith.extui %sign3A_21 : i1 to i32
    %sign3A_23 = arith.subi %sign3A_19, %sign3A_22 : i32
    %sign3A_24 = arith.constant 0 : i32
    %sign3A_25 = arith.cmpi sgt, %jit3A, %sign3A_24 : i32
    %sign3A_26 = arith.extui %sign3A_25 : i1 to i32
    %sign3A_27 = arith.constant 0 : i32
    %sign3A_28 = arith.cmpi slt, %jit3A, %sign3A_27 : i32
    %sign3A_29 = arith.extui %sign3A_28 : i1 to i32
    %sign3A_30 = arith.subi %sign3A_26, %sign3A_29 : i32
    %ne3A = arith.cmpi ne, %sign3A_23, %sign3A_30 : i32
    %rem3A = arith.remsi %arg1, %jit3A : i32
    %ne3A_31 = arith.constant 0 : i32
    %ne3A_32 = arith.cmpi ne, %rem3A, %ne3A_31 : i32
    %and3A = arith.andi %ne3A, %ne3A_32 : i1
    %sub3A = arith.constant 1 : i32
    %sub3A_33 = arith.subi %div3A, %sub3A : i32
    %select_n3A = arith.select %and3A, %sub3A_33, %div3A : i32
    %add3A_34 = arith.addi %mul3A_17, %select_n3A : i32
    %convert_element_type3A = arith.sitofp %add3A_34 : i32 to f32
    %mul3A_35 = arith.constant 7.776000e+05 : f32
    %mul3A_36 = arith.mulf %convert_element_type3A, %mul3A_35 : f32
    %mul3A_37 = arith.constant 1555200 : i32
    %mul3A_38 = arith.muli %arg0, %mul3A_37 : i32
    %scan3A_39 = arith.constant 0 : i32
    %scan3A_40 = arith.constant 0 : i32
    %scan3A_41 = arith.constant 5 : i32
    %scan3A_42 = arith.addi %scan3A_40, %scan3A_41 : i32
    %scan3A_43 = arith.constant 1 : i32
    scf.for %scan3A_52 = %scan3A_40 to %scan3A_42 step %scan3A_43  : i32 {
      %mul3A_53 = arith.constant 5000 : i32
      %mul3A_54 = arith.muli %scan3A_52, %mul3A_53 : i32
      %add3A_55 = arith.addi %add3A, %mul3A_54 : i32
      "tpu.region"() ({
        %run_scoped3A = tpu.sem_alloc : memref<!tpu.dma_semaphore, #tpu.memory_space<semaphore_mem>>
        %dma_start3A = tpu.memref_slice %arg2[%add3A_55] : memref<800000xf32, #tpu.memory_space<hbm>> -> memref<5000xf32, #tpu.memory_space<hbm>>
        %dma_start3A_312 = tpu.memref_slice %arg2[%add3A_55] : memref<800000xf32, #tpu.memory_space<hbm>> -> memref<5000xf32, #tpu.memory_space<hbm>>
        tpu.enqueue_dma source(%dma_start3A_312 : memref<5000xf32, #tpu.memory_space<hbm>>) target(%arg15 : memref<5000xf32, #tpu.memory_space<vmem>>) target_semaphore(%run_scoped3A : memref<!tpu.dma_semaphore, #tpu.memory_space<semaphore_mem>>)
        %dma_wait3A = tpu.memref_slice %arg2[%add3A_55] : memref<800000xf32, #tpu.memory_space<hbm>> -> memref<5000xf32, #tpu.memory_space<hbm>>
        %dma_wait3A_313 = tpu.memref_slice %arg2[%add3A_55] : memref<800000xf32, #tpu.memory_space<hbm>> -> memref<5000xf32, #tpu.memory_space<hbm>>
        tpu.wait_dma2 semaphore(%run_scoped3A : memref<!tpu.dma_semaphore, #tpu.memory_space<semaphore_mem>>) src(%dma_wait3A_313 : memref<5000xf32, #tpu.memory_space<hbm>>) dst(%arg15 : memref<5000xf32, #tpu.memory_space<vmem>>)
        tpu.yield
      }) : () -> ()
      "tpu.region"() ({
        %run_scoped3A = tpu.sem_alloc : memref<!tpu.dma_semaphore, #tpu.memory_space<semaphore_mem>>
        %dma_start3A = tpu.memref_slice %arg3[%add3A_55] : memref<800000xf32, #tpu.memory_space<hbm>> -> memref<5000xf32, #tpu.memory_space<hbm>>
        %dma_start3A_312 = tpu.memref_slice %arg3[%add3A_55] : memref<800000xf32, #tpu.memory_space<hbm>> -> memref<5000xf32, #tpu.memory_space<hbm>>
        tpu.enqueue_dma source(%dma_start3A_312 : memref<5000xf32, #tpu.memory_space<hbm>>) target(%arg16 : memref<5000xf32, #tpu.memory_space<vmem>>) target_semaphore(%run_scoped3A : memref<!tpu.dma_semaphore, #tpu.memory_space<semaphore_mem>>)
        %dma_wait3A = tpu.memref_slice %arg3[%add3A_55] : memref<800000xf32, #tpu.memory_space<hbm>> -> memref<5000xf32, #tpu.memory_space<hbm>>
        %dma_wait3A_313 = tpu.memref_slice %arg3[%add3A_55] : memref<800000xf32, #tpu.memory_space<hbm>> -> memref<5000xf32, #tpu.memory_space<hbm>>
        tpu.wait_dma2 semaphore(%run_scoped3A : memref<!tpu.dma_semaphore, #tpu.memory_space<semaphore_mem>>) src(%dma_wait3A_313 : memref<5000xf32, #tpu.memory_space<hbm>>) dst(%arg16 : memref<5000xf32, #tpu.memory_space<vmem>>)
        tpu.yield
      }) : () -> ()
      "tpu.region"() ({
        %run_scoped3A = tpu.sem_alloc : memref<!tpu.dma_semaphore, #tpu.memory_space<semaphore_mem>>
        %dma_start3A = tpu.memref_slice %arg4[%add3A_55] : memref<800000xf32, #tpu.memory_space<hbm>> -> memref<5000xf32, #tpu.memory_space<hbm>>
        %dma_start3A_312 = tpu.memref_slice %arg4[%add3A_55] : memref<800000xf32, #tpu.memory_space<hbm>> -> memref<5000xf32, #tpu.memory_space<hbm>>
        tpu.enqueue_dma source(%dma_start3A_312 : memref<5000xf32, #tpu.memory_space<hbm>>) target(%arg17 : memref<5000xf32, #tpu.memory_space<vmem>>) target_semaphore(%run_scoped3A : memref<!tpu.dma_semaphore, #tpu.memory_space<semaphore_mem>>)
        %dma_wait3A = tpu.memref_slice %arg4[%add3A_55] : memref<800000xf32, #tpu.memory_space<hbm>> -> memref<5000xf32, #tpu.memory_space<hbm>>
        %dma_wait3A_313 = tpu.memref_slice %arg4[%add3A_55] : memref<800000xf32, #tpu.memory_space<hbm>> -> memref<5000xf32, #tpu.memory_space<hbm>>
        tpu.wait_dma2 semaphore(%run_scoped3A : memref<!tpu.dma_semaphore, #tpu.memory_space<semaphore_mem>>) src(%dma_wait3A_313 : memref<5000xf32, #tpu.memory_space<hbm>>) dst(%arg17 : memref<5000xf32, #tpu.memory_space<vmem>>)
        tpu.yield
      }) : () -> ()
      %get3A = arith.constant 4984 : index
      %get3A_56 = tpu.vector_load %arg15[%get3A] {strides = array<i32>} : memref<5000xf32, #tpu.memory_space<vmem>>, vector<16xf32>,
      %get3A_57 = vector.shape_cast %get3A_56 : vector<16xf32> to vector<16xf32>
      %get3A_58 = arith.constant 4984 : index
      %get3A_59 = tpu.vector_load %arg16[%get3A_58] {strides = array<i32>} : memref<5000xf32, #tpu.memory_space<vmem>>, vector<16xf32>,
      %get3A_60 = vector.shape_cast %get3A_59 : vector<16xf32> to vector<16xf32>
      %get3A_61 = arith.constant 4984 : index
      %get3A_62 = tpu.vector_load %arg17[%get3A_61] {strides = array<i32>} : memref<5000xf32, #tpu.memory_space<vmem>>, vector<16xf32>,
      %get3A_63 = vector.shape_cast %get3A_62 : vector<16xf32> to vector<16xf32>
      %add3A_64 = arith.constant 1.000000e+00 : f32
      %add3A_65 = vector.broadcast %add3A_64 : f32 to vector<16xf32>
      %add3A_66 = arith.addf %get3A_63, %add3A_65 : vector<16xf32>
      %mul3A_67 = arith.constant 5.000000e-01 : f32
      %mul3A_68 = vector.broadcast %mul3A_67 : f32 to vector<16xf32>
      %mul3A_69 = arith.mulf %add3A_66, %mul3A_68 : vector<16xf32>
      %mul3A_70 = arith.constant 2.400000e+02 : f32
      %mul3A_71 = vector.broadcast %mul3A_70 : f32 to vector<16xf32>
      %mul3A_72 = arith.mulf %mul3A_71, %get3A_60 : vector<16xf32>
      %add3A_73 = arith.addf %get3A_57, %mul3A_72 : vector<16xf32>
      %mul3A_74 = arith.constant 3.888000e+05 : f32
      %mul3A_75 = vector.broadcast %mul3A_74 : f32 to vector<16xf32>
      %mul3A_76 = arith.mulf %mul3A_75, %mul3A_69 : vector<16xf32>
      %add3A_77 = arith.addf %add3A_73, %mul3A_76 : vector<16xf32>
      %add3A_78 = vector.broadcast %mul3A_36 : f32 to vector<16xf32>
      %add3A_79 = arith.addf %add3A_77, %add3A_78 : vector<16xf32>
      %swap3A = arith.constant 0 : index
      %swap3A_80 = tpu.vector_load %arg20[%swap3A] {strides = array<i32>} : memref<6480xf32, #tpu.memory_space<vmem>>, vector<16xf32>,
      %swap3A_81 = vector.shape_cast %swap3A_80 : vector<16xf32> to vector<16xf32>
      %swap3A_82 = vector.shape_cast %add3A_79 : vector<16xf32> to vector<16xf32>
      tpu.vector_store %arg20[%swap3A], %swap3A_82 {strides = array<i32>} : memref<6480xf32, #tpu.memory_space<vmem>>, vector<16xf32>,
      %scan3A_83 = arith.constant 0 : i32
      %scan3A_84 = arith.constant 0 : i32
      %scan3A_85 = arith.constant 312 : i32
      %scan3A_86 = arith.addi %scan3A_84, %scan3A_85 : i32
      %scan3A_87 = arith.constant 1 : i32
      scf.for %scan3A_312 = %scan3A_84 to %scan3A_86 step %scan3A_87  : i32 {
        %mul3A_313 = arith.constant 16 : i32
        %mul3A_314 = arith.muli %scan3A_312, %mul3A_313 : i32
        %get3A_315 = arith.index_cast %mul3A_314 : i32 to index
        %get3A_316 = tpu.vector_load %arg15[%get3A_315] {strides = array<i32>} : memref<5000xf32, #tpu.memory_space<vmem>>, vector<16xf32>,
        %get3A_317 = vector.shape_cast %get3A_316 : vector<16xf32> to vector<16xf32>
        %get3A_318 = arith.index_cast %mul3A_314 : i32 to index
        %get3A_319 = tpu.vector_load %arg16[%get3A_318] {strides = array<i32>} : memref<5000xf32, #tpu.memory_space<vmem>>, vector<16xf32>,
        %get3A_320 = vector.shape_cast %get3A_319 : vector<16xf32> to vector<16xf32>
        %get3A_321 = arith.index_cast %mul3A_314 : i32 to index
        %get3A_322 = tpu.vector_load %arg17[%get3A_321] {strides = array<i32>} : memref<5000xf32, #tpu.memory_space<vmem>>, vector<16xf32>,
        %get3A_323 = vector.shape_cast %get3A_322 : vector<16xf32> to vector<16xf32>
        %add3A_324 = arith.constant 1.000000e+00 : f32
        %add3A_325 = vector.broadcast %add3A_324 : f32 to vector<16xf32>
        %add3A_326 = arith.addf %get3A_323, %add3A_325 : vector<16xf32>
        %mul3A_327 = arith.constant 5.000000e-01 : f32
        %mul3A_328 = vector.broadcast %mul3A_327 : f32 to vector<16xf32>
        %mul3A_329 = arith.mulf %add3A_326, %mul3A_328 : vector<16xf32>
        %mul3A_330 = arith.constant 2.400000e+02 : f32
        %mul3A_331 = vector.broadcast %mul3A_330 : f32 to vector<16xf32>
        %mul3A_332 = arith.mulf %mul3A_331, %get3A_320 : vector<16xf32>
        %add3A_333 = arith.addf %get3A_317, %mul3A_332 : vector<16xf32>
        %mul3A_334 = arith.constant 3.888000e+05 : f32
        %mul3A_335 = vector.broadcast %mul3A_334 : f32 to vector<16xf32>
        %mul3A_336 = arith.mulf %mul3A_335, %mul3A_329 : vector<16xf32>
        %add3A_337 = arith.addf %add3A_333, %mul3A_336 : vector<16xf32>
        %add3A_338 = vector.broadcast %mul3A_36 : f32 to vector<16xf32>
        %add3A_339 = arith.addf %add3A_337, %add3A_338 : vector<16xf32>
        %swap3A_340 = arith.index_cast %mul3A_314 : i32 to index
        %swap3A_341 = tpu.vector_load %arg15[%swap3A_340] {strides = array<i32>} : memref<5000xf32, #tpu.memory_space<vmem>>, vector<16xf32>,
        %swap3A_342 = vector.shape_cast %swap3A_341 : vector<16xf32> to vector<16xf32>
        %swap3A_343 = vector.shape_cast %add3A_339 : vector<16xf32> to vector<16xf32>
        tpu.vector_store %arg15[%swap3A_340], %swap3A_343 {strides = array<i32>} : memref<5000xf32, #tpu.memory_space<vmem>>, vector<16xf32>,
      }
      %scan3A_88 = arith.constant 312 : i32
      %scan3A_89 = arith.constant 0 : i32
      %scan3A_90 = arith.constant 0 : i32
      %scan3A_91 = arith.constant 312 : i32
      %scan3A_92 = arith.addi %scan3A_90, %scan3A_91 : i32
      %scan3A_93 = arith.constant 1 : i32
      scf.for %scan3A_312 = %scan3A_90 to %scan3A_92 step %scan3A_93  : i32 {
        %mul3A_313 = arith.constant 16 : i32
        %mul3A_314 = arith.muli %scan3A_312, %mul3A_313 : i32
        %get3A_315 = arith.index_cast %mul3A_314 : i32 to index
        %get3A_316 = tpu.vector_load %arg15[%get3A_315] {strides = array<i32>} : memref<5000xf32, #tpu.memory_space<vmem>>, vector<16xf32>,
        %get3A_317 = vector.shape_cast %get3A_316 : vector<16xf32> to vector<16xf32>
        %add3A_318 = arith.constant 0.000000e+00 : f32
        %add3A_319 = vector.broadcast %add3A_318 : f32 to vector<16xf32>
        %add3A_320 = arith.addf %get3A_317, %add3A_319 : vector<16xf32>
        %jit3A_321 = arith.constant 0.000000e+00 : f32
        %jit3A_322 = arith.constant 0x4A3DD7FC : f32
        %max3A_323 = vector.broadcast %jit3A_321 : f32 to vector<16xf32>
        %max3A_324 = arith.maximumf %max3A_323, %add3A_320 : vector<16xf32>
        %min3A_325 = vector.broadcast %jit3A_322 : f32 to vector<16xf32>
        %min3A_326 = arith.minimumf %min3A_325, %max3A_324 : vector<16xf32>
        %convert_element_type3A_327 = arith.fptosi %min3A_326 : vector<16xf32> to vector<16xi32>
        %sub3A_328 = vector.broadcast %mul3A_38 : i32 to vector<16xi32>
        %sub3A_329 = arith.subi %convert_element_type3A_327, %sub3A_328 : vector<16xi32>
        %swap3A_330 = arith.index_cast %mul3A_314 : i32 to index
        %swap3A_331 = tpu.vector_load %arg18[%swap3A_330] {strides = array<i32>} : memref<5000xi32, #tpu.memory_space<vmem>>, vector<16xi32>,
        %swap3A_332 = vector.shape_cast %swap3A_331 : vector<16xi32> to vector<16xi32>
        %swap3A_333 = vector.shape_cast %sub3A_329 : vector<16xi32> to vector<16xi32>
        tpu.vector_store %arg18[%swap3A_330], %swap3A_333 {strides = array<i32>} : memref<5000xi32, #tpu.memory_space<vmem>>, vector<16xi32>,
      }
      %scan3A_94 = arith.constant 312 : i32
      %get3A_95 = arith.constant 0 : index
      %get3A_96 = tpu.vector_load %arg20[%get3A_95] {strides = array<i32>} : memref<6480xf32, #tpu.memory_space<vmem>>, vector<16xf32>,
      %get3A_97 = vector.shape_cast %get3A_96 : vector<16xf32> to vector<16xf32>
      %add3A_98 = arith.constant 0.000000e+00 : f32
      %add3A_99 = vector.broadcast %add3A_98 : f32 to vector<16xf32>
      %add3A_100 = arith.addf %get3A_97, %add3A_99 : vector<16xf32>
      %jit3A_101 = arith.constant 0.000000e+00 : f32
      %jit3A_102 = arith.constant 0x4A3DD7FC : f32
      %max3A = vector.broadcast %jit3A_101 : f32 to vector<16xf32>
      %max3A_103 = arith.maximumf %max3A, %add3A_100 : vector<16xf32>
      %min3A = vector.broadcast %jit3A_102 : f32 to vector<16xf32>
      %min3A_104 = arith.minimumf %min3A, %max3A_103 : vector<16xf32>
      %convert_element_type3A_105 = arith.fptosi %min3A_104 : vector<16xf32> to vector<16xi32>
      %sub3A_106 = vector.broadcast %mul3A_38 : i32 to vector<16xi32>
      %sub3A_107 = arith.subi %convert_element_type3A_105, %sub3A_106 : vector<16xi32>
      %swap3A_108 = arith.constant 4984 : index
      %swap3A_109 = tpu.vector_load %arg18[%swap3A_108] {strides = array<i32>} : memref<5000xi32, #tpu.memory_space<vmem>>, vector<16xi32>,
      %swap3A_110 = vector.shape_cast %swap3A_109 : vector<16xi32> to vector<16xi32>
      %swap3A_111 = vector.shape_cast %sub3A_107 : vector<16xi32> to vector<16xi32>
      tpu.vector_store %arg18[%swap3A_108], %swap3A_111 {strides = array<i32>} : memref<5000xi32, #tpu.memory_space<vmem>>, vector<16xi32>,
      "tpu.region"() ({
        %run_scoped3A = tpu.sem_alloc : memref<!tpu.dma_semaphore, #tpu.memory_space<semaphore_mem>>
        %dma_start3A = tpu.memref_slice %arg5[%add3A_55] : memref<800000xf32, #tpu.memory_space<hbm>> -> memref<5000xf32, #tpu.memory_space<hbm>>
        %dma_start3A_312 = tpu.memref_slice %arg5[%add3A_55] : memref<800000xf32, #tpu.memory_space<hbm>> -> memref<5000xf32, #tpu.memory_space<hbm>>
        tpu.enqueue_dma source(%dma_start3A_312 : memref<5000xf32, #tpu.memory_space<hbm>>) target(%arg19 : memref<5000xf32, #tpu.memory_space<vmem>>) target_semaphore(%run_scoped3A : memref<!tpu.dma_semaphore, #tpu.memory_space<semaphore_mem>>)
        %dma_wait3A = tpu.memref_slice %arg5[%add3A_55] : memref<800000xf32, #tpu.memory_space<hbm>> -> memref<5000xf32, #tpu.memory_space<hbm>>
        %dma_wait3A_313 = tpu.memref_slice %arg5[%add3A_55] : memref<800000xf32, #tpu.memory_space<hbm>> -> memref<5000xf32, #tpu.memory_space<hbm>>
        tpu.wait_dma2 semaphore(%run_scoped3A : memref<!tpu.dma_semaphore, #tpu.memory_space<semaphore_mem>>) src(%dma_wait3A_313 : memref<5000xf32, #tpu.memory_space<hbm>>) dst(%arg19 : memref<5000xf32, #tpu.memory_space<vmem>>)
        tpu.yield
      }) : () -> ()
      "tpu.region"() ({
        %run_scoped3A = tpu.sem_alloc : memref<!tpu.dma_semaphore, #tpu.memory_space<semaphore_mem>>
        %dma_start3A = arith.constant 0 : i32
        %dma_start3A_312 = tpu.memref_slice %arg21[%dma_start3A] : memref<1555200xf32, #tpu.memory_space<vmem_shared>> -> memref<1555200xf32, #tpu.memory_space<vmem_shared>>
        tpu.enqueue_indirect_dma source(%arg19 : memref<5000xf32, #tpu.memory_space<vmem>>) target(%dma_start3A_312 : memref<1555200xf32, #tpu.memory_space<vmem_shared>>) offsets(%arg18 : memref<5000xi32, #tpu.memory_space<vmem>>) semaphore(%run_scoped3A : memref<!tpu.dma_semaphore, #tpu.memory_space<semaphore_mem>>) {add = true}
        %dma_wait3A = arith.constant 0 : i32
        %dma_wait3A_313 = tpu.memref_slice %arg21[%dma_wait3A] : memref<1555200xf32, #tpu.memory_space<vmem_shared>> -> memref<1555200xf32, #tpu.memory_space<vmem_shared>>
        tpu.wait_indirect_dma semaphore(%run_scoped3A : memref<!tpu.dma_semaphore, #tpu.memory_space<semaphore_mem>>) src(%arg19 : memref<5000xf32, #tpu.memory_space<vmem>>) dst(%dma_wait3A_313 : memref<1555200xf32, #tpu.memory_space<vmem_shared>>)
        tpu.yield
      }) : () -> ()
      %scan3A_112 = arith.constant 0 : i32
      %scan3A_113 = arith.constant 0 : i32
      %scan3A_114 = arith.constant 312 : i32
      %scan3A_115 = arith.addi %scan3A_113, %scan3A_114 : i32
      %scan3A_116 = arith.constant 1 : i32
      scf.for %scan3A_312 = %scan3A_113 to %scan3A_115 step %scan3A_116  : i32 {
        %mul3A_313 = arith.constant 16 : i32
        %mul3A_314 = arith.muli %scan3A_312, %mul3A_313 : i32
        %get3A_315 = arith.index_cast %mul3A_314 : i32 to index
        %get3A_316 = tpu.vector_load %arg15[%get3A_315] {strides = array<i32>} : memref<5000xf32, #tpu.memory_space<vmem>>, vector<16xf32>,
        %get3A_317 = vector.shape_cast %get3A_316 : vector<16xf32> to vector<16xf32>
        %add3A_318 = arith.constant 4.320000e+04 : f32
        %add3A_319 = vector.broadcast %add3A_318 : f32 to vector<16xf32>
        %add3A_320 = arith.addf %get3A_317, %add3A_319 : vector<16xf32>
        %jit3A_321 = arith.constant 0.000000e+00 : f32
        %jit3A_322 = arith.constant 0x4A3DD7FC : f32
        %max3A_323 = vector.broadcast %jit3A_321 : f32 to vector<16xf32>
        %max3A_324 = arith.maximumf %max3A_323, %add3A_320 : vector<16xf32>
        %min3A_325 = vector.broadcast %jit3A_322 : f32 to vector<16xf32>
        %min3A_326 = arith.minimumf %min3A_325, %max3A_324 : vector<16xf32>
        %convert_element_type3A_327 = arith.fptosi %min3A_326 : vector<16xf32> to vector<16xi32>
        %sub3A_328 = vector.broadcast %mul3A_38 : i32 to vector<16xi32>
        %sub3A_329 = arith.subi %convert_element_type3A_327, %sub3A_328 : vector<16xi32>
        %swap3A_330 = arith.index_cast %mul3A_314 : i32 to index
        %swap3A_331 = tpu.vector_load %arg18[%swap3A_330] {strides = array<i32>} : memref<5000xi32, #tpu.memory_space<vmem>>, vector<16xi32>,
        %swap3A_332 = vector.shape_cast %swap3A_331 : vector<16xi32> to vector<16xi32>
        %swap3A_333 = vector.shape_cast %sub3A_329 : vector<16xi32> to vector<16xi32>
        tpu.vector_store %arg18[%swap3A_330], %swap3A_333 {strides = array<i32>} : memref<5000xi32, #tpu.memory_space<vmem>>, vector<16xi32>,
      }
      %scan3A_117 = arith.constant 312 : i32
      %get3A_118 = arith.constant 0 : index
      %get3A_119 = tpu.vector_load %arg20[%get3A_118] {strides = array<i32>} : memref<6480xf32, #tpu.memory_space<vmem>>, vector<16xf32>,
      %get3A_120 = vector.shape_cast %get3A_119 : vector<16xf32> to vector<16xf32>
      %add3A_121 = arith.constant 4.320000e+04 : f32
      %add3A_122 = vector.broadcast %add3A_121 : f32 to vector<16xf32>
      %add3A_123 = arith.addf %get3A_120, %add3A_122 : vector<16xf32>
      %jit3A_124 = arith.constant 0.000000e+00 : f32
      %jit3A_125 = arith.constant 0x4A3DD7FC : f32
      %max3A_126 = vector.broadcast %jit3A_124 : f32 to vector<16xf32>
      %max3A_127 = arith.maximumf %max3A_126, %add3A_123 : vector<16xf32>
      %min3A_128 = vector.broadcast %jit3A_125 : f32 to vector<16xf32>
      %min3A_129 = arith.minimumf %min3A_128, %max3A_127 : vector<16xf32>
      %convert_element_type3A_130 = arith.fptosi %min3A_129 : vector<16xf32> to vector<16xi32>
      %sub3A_131 = vector.broadcast %mul3A_38 : i32 to vector<16xi32>
      %sub3A_132 = arith.subi %convert_element_type3A_130, %sub3A_131 : vector<16xi32>
      %swap3A_133 = arith.constant 4984 : index
      %swap3A_134 = tpu.vector_load %arg18[%swap3A_133] {strides = array<i32>} : memref<5000xi32, #tpu.memory_space<vmem>>, vector<16xi32>,
      %swap3A_135 = vector.shape_cast %swap3A_134 : vector<16xi32> to vector<16xi32>
      %swap3A_136 = vector.shape_cast %sub3A_132 : vector<16xi32> to vector<16xi32>
      tpu.vector_store %arg18[%swap3A_133], %swap3A_136 {strides = array<i32>} : memref<5000xi32, #tpu.memory_space<vmem>>, vector<16xi32>,
      "tpu.region"() ({
        %run_scoped3A = tpu.sem_alloc : memref<!tpu.dma_semaphore, #tpu.memory_space<semaphore_mem>>
        %dma_start3A = tpu.memref_slice %arg6[%add3A_55] : memref<800000xf32, #tpu.memory_space<hbm>> -> memref<5000xf32, #tpu.memory_space<hbm>>
        %dma_start3A_312 = tpu.memref_slice %arg6[%add3A_55] : memref<800000xf32, #tpu.memory_space<hbm>> -> memref<5000xf32, #tpu.memory_space<hbm>>
        tpu.enqueue_dma source(%dma_start3A_312 : memref<5000xf32, #tpu.memory_space<hbm>>) target(%arg19 : memref<5000xf32, #tpu.memory_space<vmem>>) target_semaphore(%run_scoped3A : memref<!tpu.dma_semaphore, #tpu.memory_space<semaphore_mem>>)
        %dma_wait3A = tpu.memref_slice %arg6[%add3A_55] : memref<800000xf32, #tpu.memory_space<hbm>> -> memref<5000xf32, #tpu.memory_space<hbm>>
        %dma_wait3A_313 = tpu.memref_slice %arg6[%add3A_55] : memref<800000xf32, #tpu.memory_space<hbm>> -> memref<5000xf32, #tpu.memory_space<hbm>>
        tpu.wait_dma2 semaphore(%run_scoped3A : memref<!tpu.dma_semaphore, #tpu.memory_space<semaphore_mem>>) src(%dma_wait3A_313 : memref<5000xf32, #tpu.memory_space<hbm>>) dst(%arg19 : memref<5000xf32, #tpu.memory_space<vmem>>)
        tpu.yield
      }) : () -> ()
      "tpu.region"() ({
        %run_scoped3A = tpu.sem_alloc : memref<!tpu.dma_semaphore, #tpu.memory_space<semaphore_mem>>
        %dma_start3A = arith.constant 0 : i32
        %dma_start3A_312 = tpu.memref_slice %arg21[%dma_start3A] : memref<1555200xf32, #tpu.memory_space<vmem_shared>> -> memref<1555200xf32, #tpu.memory_space<vmem_shared>>
        tpu.enqueue_indirect_dma source(%arg19 : memref<5000xf32, #tpu.memory_space<vmem>>) target(%dma_start3A_312 : memref<1555200xf32, #tpu.memory_space<vmem_shared>>) offsets(%arg18 : memref<5000xi32, #tpu.memory_space<vmem>>) semaphore(%run_scoped3A : memref<!tpu.dma_semaphore, #tpu.memory_space<semaphore_mem>>) {add = true}
        %dma_wait3A = arith.constant 0 : i32
        %dma_wait3A_313 = tpu.memref_slice %arg21[%dma_wait3A] : memref<1555200xf32, #tpu.memory_space<vmem_shared>> -> memref<1555200xf32, #tpu.memory_space<vmem_shared>>
        tpu.wait_indirect_dma semaphore(%run_scoped3A : memref<!tpu.dma_semaphore, #tpu.memory_space<semaphore_mem>>) src(%arg19 : memref<5000xf32, #tpu.memory_space<vmem>>) dst(%dma_wait3A_313 : memref<1555200xf32, #tpu.memory_space<vmem_shared>>)
        tpu.yield
      }) : () -> ()
      %scan3A_137 = arith.constant 0 : i32
      %scan3A_138 = arith.constant 0 : i32
      %scan3A_139 = arith.constant 312 : i32
      %scan3A_140 = arith.addi %scan3A_138, %scan3A_139 : i32
      %scan3A_141 = arith.constant 1 : i32
      scf.for %scan3A_312 = %scan3A_138 to %scan3A_140 step %scan3A_141  : i32 {
        %mul3A_313 = arith.constant 16 : i32
        %mul3A_314 = arith.muli %scan3A_312, %mul3A_313 : i32
        %get3A_315 = arith.index_cast %mul3A_314 : i32 to index
        %get3A_316 = tpu.vector_load %arg15[%get3A_315] {strides = array<i32>} : memref<5000xf32, #tpu.memory_space<vmem>>, vector<16xf32>,
        %get3A_317 = vector.shape_cast %get3A_316 : vector<16xf32> to vector<16xf32>
        %add3A_318 = arith.constant 8.640000e+04 : f32
        %add3A_319 = vector.broadcast %add3A_318 : f32 to vector<16xf32>
        %add3A_320 = arith.addf %get3A_317, %add3A_319 : vector<16xf32>
        %jit3A_321 = arith.constant 0.000000e+00 : f32
        %jit3A_322 = arith.constant 0x4A3DD7FC : f32
        %max3A_323 = vector.broadcast %jit3A_321 : f32 to vector<16xf32>
        %max3A_324 = arith.maximumf %max3A_323, %add3A_320 : vector<16xf32>
        %min3A_325 = vector.broadcast %jit3A_322 : f32 to vector<16xf32>
        %min3A_326 = arith.minimumf %min3A_325, %max3A_324 : vector<16xf32>
        %convert_element_type3A_327 = arith.fptosi %min3A_326 : vector<16xf32> to vector<16xi32>
        %sub3A_328 = vector.broadcast %mul3A_38 : i32 to vector<16xi32>
        %sub3A_329 = arith.subi %convert_element_type3A_327, %sub3A_328 : vector<16xi32>
        %swap3A_330 = arith.index_cast %mul3A_314 : i32 to index
        %swap3A_331 = tpu.vector_load %arg18[%swap3A_330] {strides = array<i32>} : memref<5000xi32, #tpu.memory_space<vmem>>, vector<16xi32>,
        %swap3A_332 = vector.shape_cast %swap3A_331 : vector<16xi32> to vector<16xi32>
        %swap3A_333 = vector.shape_cast %sub3A_329 : vector<16xi32> to vector<16xi32>
        tpu.vector_store %arg18[%swap3A_330], %swap3A_333 {strides = array<i32>} : memref<5000xi32, #tpu.memory_space<vmem>>, vector<16xi32>,
      }
      %scan3A_142 = arith.constant 312 : i32
      %get3A_143 = arith.constant 0 : index
      %get3A_144 = tpu.vector_load %arg20[%get3A_143] {strides = array<i32>} : memref<6480xf32, #tpu.memory_space<vmem>>, vector<16xf32>,
      %get3A_145 = vector.shape_cast %get3A_144 : vector<16xf32> to vector<16xf32>
      %add3A_146 = arith.constant 8.640000e+04 : f32
      %add3A_147 = vector.broadcast %add3A_146 : f32 to vector<16xf32>
      %add3A_148 = arith.addf %get3A_145, %add3A_147 : vector<16xf32>
      %jit3A_149 = arith.constant 0.000000e+00 : f32
      %jit3A_150 = arith.constant 0x4A3DD7FC : f32
      %max3A_151 = vector.broadcast %jit3A_149 : f32 to vector<16xf32>
      %max3A_152 = arith.maximumf %max3A_151, %add3A_148 : vector<16xf32>
      %min3A_153 = vector.broadcast %jit3A_150 : f32 to vector<16xf32>
      %min3A_154 = arith.minimumf %min3A_153, %max3A_152 : vector<16xf32>
      %convert_element_type3A_155 = arith.fptosi %min3A_154 : vector<16xf32> to vector<16xi32>
      %sub3A_156 = vector.broadcast %mul3A_38 : i32 to vector<16xi32>
      %sub3A_157 = arith.subi %convert_element_type3A_155, %sub3A_156 : vector<16xi32>
      %swap3A_158 = arith.constant 4984 : index
      %swap3A_159 = tpu.vector_load %arg18[%swap3A_158] {strides = array<i32>} : memref<5000xi32, #tpu.memory_space<vmem>>, vector<16xi32>,
      %swap3A_160 = vector.shape_cast %swap3A_159 : vector<16xi32> to vector<16xi32>
      %swap3A_161 = vector.shape_cast %sub3A_157 : vector<16xi32> to vector<16xi32>
      tpu.vector_store %arg18[%swap3A_158], %swap3A_161 {strides = array<i32>} : memref<5000xi32, #tpu.memory_space<vmem>>, vector<16xi32>,
      "tpu.region"() ({
        %run_scoped3A = tpu.sem_alloc : memref<!tpu.dma_semaphore, #tpu.memory_space<semaphore_mem>>
        %dma_start3A = tpu.memref_slice %arg7[%add3A_55] : memref<800000xf32, #tpu.memory_space<hbm>> -> memref<5000xf32, #tpu.memory_space<hbm>>
        %dma_start3A_312 = tpu.memref_slice %arg7[%add3A_55] : memref<800000xf32, #tpu.memory_space<hbm>> -> memref<5000xf32, #tpu.memory_space<hbm>>
        tpu.enqueue_dma source(%dma_start3A_312 : memref<5000xf32, #tpu.memory_space<hbm>>) target(%arg19 : memref<5000xf32, #tpu.memory_space<vmem>>) target_semaphore(%run_scoped3A : memref<!tpu.dma_semaphore, #tpu.memory_space<semaphore_mem>>)
        %dma_wait3A = tpu.memref_slice %arg7[%add3A_55] : memref<800000xf32, #tpu.memory_space<hbm>> -> memref<5000xf32, #tpu.memory_space<hbm>>
        %dma_wait3A_313 = tpu.memref_slice %arg7[%add3A_55] : memref<800000xf32, #tpu.memory_space<hbm>> -> memref<5000xf32, #tpu.memory_space<hbm>>
        tpu.wait_dma2 semaphore(%run_scoped3A : memref<!tpu.dma_semaphore, #tpu.memory_space<semaphore_mem>>) src(%dma_wait3A_313 : memref<5000xf32, #tpu.memory_space<hbm>>) dst(%arg19 : memref<5000xf32, #tpu.memory_space<vmem>>)
        tpu.yield
      }) : () -> ()
      "tpu.region"() ({
        %run_scoped3A = tpu.sem_alloc : memref<!tpu.dma_semaphore, #tpu.memory_space<semaphore_mem>>
        %dma_start3A = arith.constant 0 : i32
        %dma_start3A_312 = tpu.memref_slice %arg21[%dma_start3A] : memref<1555200xf32, #tpu.memory_space<vmem_shared>> -> memref<1555200xf32, #tpu.memory_space<vmem_shared>>
        tpu.enqueue_indirect_dma source(%arg19 : memref<5000xf32, #tpu.memory_space<vmem>>) target(%dma_start3A_312 : memref<1555200xf32, #tpu.memory_space<vmem_shared>>) offsets(%arg18 : memref<5000xi32, #tpu.memory_space<vmem>>) semaphore(%run_scoped3A : memref<!tpu.dma_semaphore, #tpu.memory_space<semaphore_mem>>) {add = true}
        %dma_wait3A = arith.constant 0 : i32
        %dma_wait3A_313 = tpu.memref_slice %arg21[%dma_wait3A] : memref<1555200xf32, #tpu.memory_space<vmem_shared>> -> memref<1555200xf32, #tpu.memory_space<vmem_shared>>
        tpu.wait_indirect_dma semaphore(%run_scoped3A : memref<!tpu.dma_semaphore, #tpu.memory_space<semaphore_mem>>) src(%arg19 : memref<5000xf32, #tpu.memory_space<vmem>>) dst(%dma_wait3A_313 : memref<1555200xf32, #tpu.memory_space<vmem_shared>>)
        tpu.yield
      }) : () -> ()
      %scan3A_162 = arith.constant 0 : i32
      %scan3A_163 = arith.constant 0 : i32
      %scan3A_164 = arith.constant 312 : i32
      %scan3A_165 = arith.addi %scan3A_163, %scan3A_164 : i32
      %scan3A_166 = arith.constant 1 : i32
      scf.for %scan3A_312 = %scan3A_163 to %scan3A_165 step %scan3A_166  : i32 {
        %mul3A_313 = arith.constant 16 : i32
        %mul3A_314 = arith.muli %scan3A_312, %mul3A_313 : i32
        %get3A_315 = arith.index_cast %mul3A_314 : i32 to index
        %get3A_316 = tpu.vector_load %arg15[%get3A_315] {strides = array<i32>} : memref<5000xf32, #tpu.memory_space<vmem>>, vector<16xf32>,
        %get3A_317 = vector.shape_cast %get3A_316 : vector<16xf32> to vector<16xf32>
        %add3A_318 = arith.constant 1.296000e+05 : f32
        %add3A_319 = vector.broadcast %add3A_318 : f32 to vector<16xf32>
        %add3A_320 = arith.addf %get3A_317, %add3A_319 : vector<16xf32>
        %jit3A_321 = arith.constant 0.000000e+00 : f32
        %jit3A_322 = arith.constant 0x4A3DD7FC : f32
        %max3A_323 = vector.broadcast %jit3A_321 : f32 to vector<16xf32>
        %max3A_324 = arith.maximumf %max3A_323, %add3A_320 : vector<16xf32>
        %min3A_325 = vector.broadcast %jit3A_322 : f32 to vector<16xf32>
        %min3A_326 = arith.minimumf %min3A_325, %max3A_324 : vector<16xf32>
        %convert_element_type3A_327 = arith.fptosi %min3A_326 : vector<16xf32> to vector<16xi32>
        %sub3A_328 = vector.broadcast %mul3A_38 : i32 to vector<16xi32>
        %sub3A_329 = arith.subi %convert_element_type3A_327, %sub3A_328 : vector<16xi32>
        %swap3A_330 = arith.index_cast %mul3A_314 : i32 to index
        %swap3A_331 = tpu.vector_load %arg18[%swap3A_330] {strides = array<i32>} : memref<5000xi32, #tpu.memory_space<vmem>>, vector<16xi32>,
        %swap3A_332 = vector.shape_cast %swap3A_331 : vector<16xi32> to vector<16xi32>
        %swap3A_333 = vector.shape_cast %sub3A_329 : vector<16xi32> to vector<16xi32>
        tpu.vector_store %arg18[%swap3A_330], %swap3A_333 {strides = array<i32>} : memref<5000xi32, #tpu.memory_space<vmem>>, vector<16xi32>,
      }
      %scan3A_167 = arith.constant 312 : i32
      %get3A_168 = arith.constant 0 : index
      %get3A_169 = tpu.vector_load %arg20[%get3A_168] {strides = array<i32>} : memref<6480xf32, #tpu.memory_space<vmem>>, vector<16xf32>,
      %get3A_170 = vector.shape_cast %get3A_169 : vector<16xf32> to vector<16xf32>
      %add3A_171 = arith.constant 1.296000e+05 : f32
      %add3A_172 = vector.broadcast %add3A_171 : f32 to vector<16xf32>
      %add3A_173 = arith.addf %get3A_170, %add3A_172 : vector<16xf32>
      %jit3A_174 = arith.constant 0.000000e+00 : f32
      %jit3A_175 = arith.constant 0x4A3DD7FC : f32
      %max3A_176 = vector.broadcast %jit3A_174 : f32 to vector<16xf32>
      %max3A_177 = arith.maximumf %max3A_176, %add3A_173 : vector<16xf32>
      %min3A_178 = vector.broadcast %jit3A_175 : f32 to vector<16xf32>
      %min3A_179 = arith.minimumf %min3A_178, %max3A_177 : vector<16xf32>
      %convert_element_type3A_180 = arith.fptosi %min3A_179 : vector<16xf32> to vector<16xi32>
      %sub3A_181 = vector.broadcast %mul3A_38 : i32 to vector<16xi32>
      %sub3A_182 = arith.subi %convert_element_type3A_180, %sub3A_181 : vector<16xi32>
      %swap3A_183 = arith.constant 4984 : index
      %swap3A_184 = tpu.vector_load %arg18[%swap3A_183] {strides = array<i32>} : memref<5000xi32, #tpu.memory_space<vmem>>, vector<16xi32>,
      %swap3A_185 = vector.shape_cast %swap3A_184 : vector<16xi32> to vector<16xi32>
      %swap3A_186 = vector.shape_cast %sub3A_182 : vector<16xi32> to vector<16xi32>
      tpu.vector_store %arg18[%swap3A_183], %swap3A_186 {strides = array<i32>} : memref<5000xi32, #tpu.memory_space<vmem>>, vector<16xi32>,
      "tpu.region"() ({
        %run_scoped3A = tpu.sem_alloc : memref<!tpu.dma_semaphore, #tpu.memory_space<semaphore_mem>>
        %dma_start3A = tpu.memref_slice %arg8[%add3A_55] : memref<800000xf32, #tpu.memory_space<hbm>> -> memref<5000xf32, #tpu.memory_space<hbm>>
        %dma_start3A_312 = tpu.memref_slice %arg8[%add3A_55] : memref<800000xf32, #tpu.memory_space<hbm>> -> memref<5000xf32, #tpu.memory_space<hbm>>
        tpu.enqueue_dma source(%dma_start3A_312 : memref<5000xf32, #tpu.memory_space<hbm>>) target(%arg19 : memref<5000xf32, #tpu.memory_space<vmem>>) target_semaphore(%run_scoped3A : memref<!tpu.dma_semaphore, #tpu.memory_space<semaphore_mem>>)
        %dma_wait3A = tpu.memref_slice %arg8[%add3A_55] : memref<800000xf32, #tpu.memory_space<hbm>> -> memref<5000xf32, #tpu.memory_space<hbm>>
        %dma_wait3A_313 = tpu.memref_slice %arg8[%add3A_55] : memref<800000xf32, #tpu.memory_space<hbm>> -> memref<5000xf32, #tpu.memory_space<hbm>>
        tpu.wait_dma2 semaphore(%run_scoped3A : memref<!tpu.dma_semaphore, #tpu.memory_space<semaphore_mem>>) src(%dma_wait3A_313 : memref<5000xf32, #tpu.memory_space<hbm>>) dst(%arg19 : memref<5000xf32, #tpu.memory_space<vmem>>)
        tpu.yield
      }) : () -> ()
      "tpu.region"() ({
        %run_scoped3A = tpu.sem_alloc : memref<!tpu.dma_semaphore, #tpu.memory_space<semaphore_mem>>
        %dma_start3A = arith.constant 0 : i32
        %dma_start3A_312 = tpu.memref_slice %arg21[%dma_start3A] : memref<1555200xf32, #tpu.memory_space<vmem_shared>> -> memref<1555200xf32, #tpu.memory_space<vmem_shared>>
        tpu.enqueue_indirect_dma source(%arg19 : memref<5000xf32, #tpu.memory_space<vmem>>) target(%dma_start3A_312 : memref<1555200xf32, #tpu.memory_space<vmem_shared>>) offsets(%arg18 : memref<5000xi32, #tpu.memory_space<vmem>>) semaphore(%run_scoped3A : memref<!tpu.dma_semaphore, #tpu.memory_space<semaphore_mem>>) {add = true}
        %dma_wait3A = arith.constant 0 : i32
        %dma_wait3A_313 = tpu.memref_slice %arg21[%dma_wait3A] : memref<1555200xf32, #tpu.memory_space<vmem_shared>> -> memref<1555200xf32, #tpu.memory_space<vmem_shared>>
        tpu.wait_indirect_dma semaphore(%run_scoped3A : memref<!tpu.dma_semaphore, #tpu.memory_space<semaphore_mem>>) src(%arg19 : memref<5000xf32, #tpu.memory_space<vmem>>) dst(%dma_wait3A_313 : memref<1555200xf32, #tpu.memory_space<vmem_shared>>)
        tpu.yield
      }) : () -> ()
      %scan3A_187 = arith.constant 0 : i32
      %scan3A_188 = arith.constant 0 : i32
      %scan3A_189 = arith.constant 312 : i32
      %scan3A_190 = arith.addi %scan3A_188, %scan3A_189 : i32
      %scan3A_191 = arith.constant 1 : i32
      scf.for %scan3A_312 = %scan3A_188 to %scan3A_190 step %scan3A_191  : i32 {
        %mul3A_313 = arith.constant 16 : i32
        %mul3A_314 = arith.muli %scan3A_312, %mul3A_313 : i32
        %get3A_315 = arith.index_cast %mul3A_314 : i32 to index
        %get3A_316 = tpu.vector_load %arg15[%get3A_315] {strides = array<i32>} : memref<5000xf32, #tpu.memory_space<vmem>>, vector<16xf32>,
        %get3A_317 = vector.shape_cast %get3A_316 : vector<16xf32> to vector<16xf32>
        %add3A_318 = arith.constant 1.728000e+05 : f32
        %add3A_319 = vector.broadcast %add3A_318 : f32 to vector<16xf32>
        %add3A_320 = arith.addf %get3A_317, %add3A_319 : vector<16xf32>
        %jit3A_321 = arith.constant 0.000000e+00 : f32
        %jit3A_322 = arith.constant 0x4A3DD7FC : f32
        %max3A_323 = vector.broadcast %jit3A_321 : f32 to vector<16xf32>
        %max3A_324 = arith.maximumf %max3A_323, %add3A_320 : vector<16xf32>
        %min3A_325 = vector.broadcast %jit3A_322 : f32 to vector<16xf32>
        %min3A_326 = arith.minimumf %min3A_325, %max3A_324 : vector<16xf32>
        %convert_element_type3A_327 = arith.fptosi %min3A_326 : vector<16xf32> to vector<16xi32>
        %sub3A_328 = vector.broadcast %mul3A_38 : i32 to vector<16xi32>
        %sub3A_329 = arith.subi %convert_element_type3A_327, %sub3A_328 : vector<16xi32>
        %swap3A_330 = arith.index_cast %mul3A_314 : i32 to index
        %swap3A_331 = tpu.vector_load %arg18[%swap3A_330] {strides = array<i32>} : memref<5000xi32, #tpu.memory_space<vmem>>, vector<16xi32>,
        %swap3A_332 = vector.shape_cast %swap3A_331 : vector<16xi32> to vector<16xi32>
        %swap3A_333 = vector.shape_cast %sub3A_329 : vector<16xi32> to vector<16xi32>
        tpu.vector_store %arg18[%swap3A_330], %swap3A_333 {strides = array<i32>} : memref<5000xi32, #tpu.memory_space<vmem>>, vector<16xi32>,
      }
      %scan3A_192 = arith.constant 312 : i32
      %get3A_193 = arith.constant 0 : index
      %get3A_194 = tpu.vector_load %arg20[%get3A_193] {strides = array<i32>} : memref<6480xf32, #tpu.memory_space<vmem>>, vector<16xf32>,
      %get3A_195 = vector.shape_cast %get3A_194 : vector<16xf32> to vector<16xf32>
      %add3A_196 = arith.constant 1.728000e+05 : f32
      %add3A_197 = vector.broadcast %add3A_196 : f32 to vector<16xf32>
      %add3A_198 = arith.addf %get3A_195, %add3A_197 : vector<16xf32>
      %jit3A_199 = arith.constant 0.000000e+00 : f32
      %jit3A_200 = arith.constant 0x4A3DD7FC : f32
      %max3A_201 = vector.broadcast %jit3A_199 : f32 to vector<16xf32>
      %max3A_202 = arith.maximumf %max3A_201, %add3A_198 : vector<16xf32>
      %min3A_203 = vector.broadcast %jit3A_200 : f32 to vector<16xf32>
      %min3A_204 = arith.minimumf %min3A_203, %max3A_202 : vector<16xf32>
      %convert_element_type3A_205 = arith.fptosi %min3A_204 : vector<16xf32> to vector<16xi32>
      %sub3A_206 = vector.broadcast %mul3A_38 : i32 to vector<16xi32>
      %sub3A_207 = arith.subi %convert_element_type3A_205, %sub3A_206 : vector<16xi32>
      %swap3A_208 = arith.constant 4984 : index
      %swap3A_209 = tpu.vector_load %arg18[%swap3A_208] {strides = array<i32>} : memref<5000xi32, #tpu.memory_space<vmem>>, vector<16xi32>,
      %swap3A_210 = vector.shape_cast %swap3A_209 : vector<16xi32> to vector<16xi32>
      %swap3A_211 = vector.shape_cast %sub3A_207 : vector<16xi32> to vector<16xi32>
      tpu.vector_store %arg18[%swap3A_208], %swap3A_211 {strides = array<i32>} : memref<5000xi32, #tpu.memory_space<vmem>>, vector<16xi32>,
      "tpu.region"() ({
        %run_scoped3A = tpu.sem_alloc : memref<!tpu.dma_semaphore, #tpu.memory_space<semaphore_mem>>
        %dma_start3A = tpu.memref_slice %arg9[%add3A_55] : memref<800000xf32, #tpu.memory_space<hbm>> -> memref<5000xf32, #tpu.memory_space<hbm>>
        %dma_start3A_312 = tpu.memref_slice %arg9[%add3A_55] : memref<800000xf32, #tpu.memory_space<hbm>> -> memref<5000xf32, #tpu.memory_space<hbm>>
        tpu.enqueue_dma source(%dma_start3A_312 : memref<5000xf32, #tpu.memory_space<hbm>>) target(%arg19 : memref<5000xf32, #tpu.memory_space<vmem>>) target_semaphore(%run_scoped3A : memref<!tpu.dma_semaphore, #tpu.memory_space<semaphore_mem>>)
        %dma_wait3A = tpu.memref_slice %arg9[%add3A_55] : memref<800000xf32, #tpu.memory_space<hbm>> -> memref<5000xf32, #tpu.memory_space<hbm>>
        %dma_wait3A_313 = tpu.memref_slice %arg9[%add3A_55] : memref<800000xf32, #tpu.memory_space<hbm>> -> memref<5000xf32, #tpu.memory_space<hbm>>
        tpu.wait_dma2 semaphore(%run_scoped3A : memref<!tpu.dma_semaphore, #tpu.memory_space<semaphore_mem>>) src(%dma_wait3A_313 : memref<5000xf32, #tpu.memory_space<hbm>>) dst(%arg19 : memref<5000xf32, #tpu.memory_space<vmem>>)
        tpu.yield
      }) : () -> ()
      "tpu.region"() ({
        %run_scoped3A = tpu.sem_alloc : memref<!tpu.dma_semaphore, #tpu.memory_space<semaphore_mem>>
        %dma_start3A = arith.constant 0 : i32
        %dma_start3A_312 = tpu.memref_slice %arg21[%dma_start3A] : memref<1555200xf32, #tpu.memory_space<vmem_shared>> -> memref<1555200xf32, #tpu.memory_space<vmem_shared>>
        tpu.enqueue_indirect_dma source(%arg19 : memref<5000xf32, #tpu.memory_space<vmem>>) target(%dma_start3A_312 : memref<1555200xf32, #tpu.memory_space<vmem_shared>>) offsets(%arg18 : memref<5000xi32, #tpu.memory_space<vmem>>) semaphore(%run_scoped3A : memref<!tpu.dma_semaphore, #tpu.memory_space<semaphore_mem>>) {add = true}
        %dma_wait3A = arith.constant 0 : i32
        %dma_wait3A_313 = tpu.memref_slice %arg21[%dma_wait3A] : memref<1555200xf32, #tpu.memory_space<vmem_shared>> -> memref<1555200xf32, #tpu.memory_space<vmem_shared>>
        tpu.wait_indirect_dma semaphore(%run_scoped3A : memref<!tpu.dma_semaphore, #tpu.memory_space<semaphore_mem>>) src(%arg19 : memref<5000xf32, #tpu.memory_space<vmem>>) dst(%dma_wait3A_313 : memref<1555200xf32, #tpu.memory_space<vmem_shared>>)
        tpu.yield
      }) : () -> ()
      %scan3A_212 = arith.constant 0 : i32
      %scan3A_213 = arith.constant 0 : i32
      %scan3A_214 = arith.constant 312 : i32
      %scan3A_215 = arith.addi %scan3A_213, %scan3A_214 : i32
      %scan3A_216 = arith.constant 1 : i32
      scf.for %scan3A_312 = %scan3A_213 to %scan3A_215 step %scan3A_216  : i32 {
        %mul3A_313 = arith.constant 16 : i32
        %mul3A_314 = arith.muli %scan3A_312, %mul3A_313 : i32
        %get3A_315 = arith.index_cast %mul3A_314 : i32 to index
        %get3A_316 = tpu.vector_load %arg15[%get3A_315] {strides = array<i32>} : memref<5000xf32, #tpu.memory_space<vmem>>, vector<16xf32>,
        %get3A_317 = vector.shape_cast %get3A_316 : vector<16xf32> to vector<16xf32>
        %add3A_318 = arith.constant 2.160000e+05 : f32
        %add3A_319 = vector.broadcast %add3A_318 : f32 to vector<16xf32>
        %add3A_320 = arith.addf %get3A_317, %add3A_319 : vector<16xf32>
        %jit3A_321 = arith.constant 0.000000e+00 : f32
        %jit3A_322 = arith.constant 0x4A3DD7FC : f32
        %max3A_323 = vector.broadcast %jit3A_321 : f32 to vector<16xf32>
        %max3A_324 = arith.maximumf %max3A_323, %add3A_320 : vector<16xf32>
        %min3A_325 = vector.broadcast %jit3A_322 : f32 to vector<16xf32>
        %min3A_326 = arith.minimumf %min3A_325, %max3A_324 : vector<16xf32>
        %convert_element_type3A_327 = arith.fptosi %min3A_326 : vector<16xf32> to vector<16xi32>
        %sub3A_328 = vector.broadcast %mul3A_38 : i32 to vector<16xi32>
        %sub3A_329 = arith.subi %convert_element_type3A_327, %sub3A_328 : vector<16xi32>
        %swap3A_330 = arith.index_cast %mul3A_314 : i32 to index
        %swap3A_331 = tpu.vector_load %arg18[%swap3A_330] {strides = array<i32>} : memref<5000xi32, #tpu.memory_space<vmem>>, vector<16xi32>,
        %swap3A_332 = vector.shape_cast %swap3A_331 : vector<16xi32> to vector<16xi32>
        %swap3A_333 = vector.shape_cast %sub3A_329 : vector<16xi32> to vector<16xi32>
        tpu.vector_store %arg18[%swap3A_330], %swap3A_333 {strides = array<i32>} : memref<5000xi32, #tpu.memory_space<vmem>>, vector<16xi32>,
      }
      %scan3A_217 = arith.constant 312 : i32
      %get3A_218 = arith.constant 0 : index
      %get3A_219 = tpu.vector_load %arg20[%get3A_218] {strides = array<i32>} : memref<6480xf32, #tpu.memory_space<vmem>>, vector<16xf32>,
      %get3A_220 = vector.shape_cast %get3A_219 : vector<16xf32> to vector<16xf32>
      %add3A_221 = arith.constant 2.160000e+05 : f32
      %add3A_222 = vector.broadcast %add3A_221 : f32 to vector<16xf32>
      %add3A_223 = arith.addf %get3A_220, %add3A_222 : vector<16xf32>
      %jit3A_224 = arith.constant 0.000000e+00 : f32
      %jit3A_225 = arith.constant 0x4A3DD7FC : f32
      %max3A_226 = vector.broadcast %jit3A_224 : f32 to vector<16xf32>
      %max3A_227 = arith.maximumf %max3A_226, %add3A_223 : vector<16xf32>
      %min3A_228 = vector.broadcast %jit3A_225 : f32 to vector<16xf32>
      %min3A_229 = arith.minimumf %min3A_228, %max3A_227 : vector<16xf32>
      %convert_element_type3A_230 = arith.fptosi %min3A_229 : vector<16xf32> to vector<16xi32>
      %sub3A_231 = vector.broadcast %mul3A_38 : i32 to vector<16xi32>
      %sub3A_232 = arith.subi %convert_element_type3A_230, %sub3A_231 : vector<16xi32>
      %swap3A_233 = arith.constant 4984 : index
      %swap3A_234 = tpu.vector_load %arg18[%swap3A_233] {strides = array<i32>} : memref<5000xi32, #tpu.memory_space<vmem>>, vector<16xi32>,
      %swap3A_235 = vector.shape_cast %swap3A_234 : vector<16xi32> to vector<16xi32>
      %swap3A_236 = vector.shape_cast %sub3A_232 : vector<16xi32> to vector<16xi32>
      tpu.vector_store %arg18[%swap3A_233], %swap3A_236 {strides = array<i32>} : memref<5000xi32, #tpu.memory_space<vmem>>, vector<16xi32>,
      "tpu.region"() ({
        %run_scoped3A = tpu.sem_alloc : memref<!tpu.dma_semaphore, #tpu.memory_space<semaphore_mem>>
        %dma_start3A = tpu.memref_slice %arg10[%add3A_55] : memref<800000xf32, #tpu.memory_space<hbm>> -> memref<5000xf32, #tpu.memory_space<hbm>>
        %dma_start3A_312 = tpu.memref_slice %arg10[%add3A_55] : memref<800000xf32, #tpu.memory_space<hbm>> -> memref<5000xf32, #tpu.memory_space<hbm>>
        tpu.enqueue_dma source(%dma_start3A_312 : memref<5000xf32, #tpu.memory_space<hbm>>) target(%arg19 : memref<5000xf32, #tpu.memory_space<vmem>>) target_semaphore(%run_scoped3A : memref<!tpu.dma_semaphore, #tpu.memory_space<semaphore_mem>>)
        %dma_wait3A = tpu.memref_slice %arg10[%add3A_55] : memref<800000xf32, #tpu.memory_space<hbm>> -> memref<5000xf32, #tpu.memory_space<hbm>>
        %dma_wait3A_313 = tpu.memref_slice %arg10[%add3A_55] : memref<800000xf32, #tpu.memory_space<hbm>> -> memref<5000xf32, #tpu.memory_space<hbm>>
        tpu.wait_dma2 semaphore(%run_scoped3A : memref<!tpu.dma_semaphore, #tpu.memory_space<semaphore_mem>>) src(%dma_wait3A_313 : memref<5000xf32, #tpu.memory_space<hbm>>) dst(%arg19 : memref<5000xf32, #tpu.memory_space<vmem>>)
        tpu.yield
      }) : () -> ()
      "tpu.region"() ({
        %run_scoped3A = tpu.sem_alloc : memref<!tpu.dma_semaphore, #tpu.memory_space<semaphore_mem>>
        %dma_start3A = arith.constant 0 : i32
        %dma_start3A_312 = tpu.memref_slice %arg21[%dma_start3A] : memref<1555200xf32, #tpu.memory_space<vmem_shared>> -> memref<1555200xf32, #tpu.memory_space<vmem_shared>>
        tpu.enqueue_indirect_dma source(%arg19 : memref<5000xf32, #tpu.memory_space<vmem>>) target(%dma_start3A_312 : memref<1555200xf32, #tpu.memory_space<vmem_shared>>) offsets(%arg18 : memref<5000xi32, #tpu.memory_space<vmem>>) semaphore(%run_scoped3A : memref<!tpu.dma_semaphore, #tpu.memory_space<semaphore_mem>>) {add = true}
        %dma_wait3A = arith.constant 0 : i32
        %dma_wait3A_313 = tpu.memref_slice %arg21[%dma_wait3A] : memref<1555200xf32, #tpu.memory_space<vmem_shared>> -> memref<1555200xf32, #tpu.memory_space<vmem_shared>>
        tpu.wait_indirect_dma semaphore(%run_scoped3A : memref<!tpu.dma_semaphore, #tpu.memory_space<semaphore_mem>>) src(%arg19 : memref<5000xf32, #tpu.memory_space<vmem>>) dst(%dma_wait3A_313 : memref<1555200xf32, #tpu.memory_space<vmem_shared>>)
        tpu.yield
      }) : () -> ()
      %scan3A_237 = arith.constant 0 : i32
      %scan3A_238 = arith.constant 0 : i32
      %scan3A_239 = arith.constant 312 : i32
      %scan3A_240 = arith.addi %scan3A_238, %scan3A_239 : i32
      %scan3A_241 = arith.constant 1 : i32
      scf.for %scan3A_312 = %scan3A_238 to %scan3A_240 step %scan3A_241  : i32 {
        %mul3A_313 = arith.constant 16 : i32
        %mul3A_314 = arith.muli %scan3A_312, %mul3A_313 : i32
        %get3A_315 = arith.index_cast %mul3A_314 : i32 to index
        %get3A_316 = tpu.vector_load %arg15[%get3A_315] {strides = array<i32>} : memref<5000xf32, #tpu.memory_space<vmem>>, vector<16xf32>,
        %get3A_317 = vector.shape_cast %get3A_316 : vector<16xf32> to vector<16xf32>
        %add3A_318 = arith.constant 2.592000e+05 : f32
        %add3A_319 = vector.broadcast %add3A_318 : f32 to vector<16xf32>
        %add3A_320 = arith.addf %get3A_317, %add3A_319 : vector<16xf32>
        %jit3A_321 = arith.constant 0.000000e+00 : f32
        %jit3A_322 = arith.constant 0x4A3DD7FC : f32
        %max3A_323 = vector.broadcast %jit3A_321 : f32 to vector<16xf32>
        %max3A_324 = arith.maximumf %max3A_323, %add3A_320 : vector<16xf32>
        %min3A_325 = vector.broadcast %jit3A_322 : f32 to vector<16xf32>
        %min3A_326 = arith.minimumf %min3A_325, %max3A_324 : vector<16xf32>
        %convert_element_type3A_327 = arith.fptosi %min3A_326 : vector<16xf32> to vector<16xi32>
        %sub3A_328 = vector.broadcast %mul3A_38 : i32 to vector<16xi32>
        %sub3A_329 = arith.subi %convert_element_type3A_327, %sub3A_328 : vector<16xi32>
        %swap3A_330 = arith.index_cast %mul3A_314 : i32 to index
        %swap3A_331 = tpu.vector_load %arg18[%swap3A_330] {strides = array<i32>} : memref<5000xi32, #tpu.memory_space<vmem>>, vector<16xi32>,
        %swap3A_332 = vector.shape_cast %swap3A_331 : vector<16xi32> to vector<16xi32>
        %swap3A_333 = vector.shape_cast %sub3A_329 : vector<16xi32> to vector<16xi32>
        tpu.vector_store %arg18[%swap3A_330], %swap3A_333 {strides = array<i32>} : memref<5000xi32, #tpu.memory_space<vmem>>, vector<16xi32>,
      }
      %scan3A_242 = arith.constant 312 : i32
      %get3A_243 = arith.constant 0 : index
      %get3A_244 = tpu.vector_load %arg20[%get3A_243] {strides = array<i32>} : memref<6480xf32, #tpu.memory_space<vmem>>, vector<16xf32>,
      %get3A_245 = vector.shape_cast %get3A_244 : vector<16xf32> to vector<16xf32>
      %add3A_246 = arith.constant 2.592000e+05 : f32
      %add3A_247 = vector.broadcast %add3A_246 : f32 to vector<16xf32>
      %add3A_248 = arith.addf %get3A_245, %add3A_247 : vector<16xf32>
      %jit3A_249 = arith.constant 0.000000e+00 : f32
      %jit3A_250 = arith.constant 0x4A3DD7FC : f32
      %max3A_251 = vector.broadcast %jit3A_249 : f32 to vector<16xf32>
      %max3A_252 = arith.maximumf %max3A_251, %add3A_248 : vector<16xf32>
      %min3A_253 = vector.broadcast %jit3A_250 : f32 to vector<16xf32>
      %min3A_254 = arith.minimumf %min3A_253, %max3A_252 : vector<16xf32>
      %convert_element_type3A_255 = arith.fptosi %min3A_254 : vector<16xf32> to vector<16xi32>
      %sub3A_256 = vector.broadcast %mul3A_38 : i32 to vector<16xi32>
      %sub3A_257 = arith.subi %convert_element_type3A_255, %sub3A_256 : vector<16xi32>
      %swap3A_258 = arith.constant 4984 : index
      %swap3A_259 = tpu.vector_load %arg18[%swap3A_258] {strides = array<i32>} : memref<5000xi32, #tpu.memory_space<vmem>>, vector<16xi32>,
      %swap3A_260 = vector.shape_cast %swap3A_259 : vector<16xi32> to vector<16xi32>
      %swap3A_261 = vector.shape_cast %sub3A_257 : vector<16xi32> to vector<16xi32>
      tpu.vector_store %arg18[%swap3A_258], %swap3A_261 {strides = array<i32>} : memref<5000xi32, #tpu.memory_space<vmem>>, vector<16xi32>,
      "tpu.region"() ({
        %run_scoped3A = tpu.sem_alloc : memref<!tpu.dma_semaphore, #tpu.memory_space<semaphore_mem>>
        %dma_start3A = tpu.memref_slice %arg11[%add3A_55] : memref<800000xf32, #tpu.memory_space<hbm>> -> memref<5000xf32, #tpu.memory_space<hbm>>
        %dma_start3A_312 = tpu.memref_slice %arg11[%add3A_55] : memref<800000xf32, #tpu.memory_space<hbm>> -> memref<5000xf32, #tpu.memory_space<hbm>>
        tpu.enqueue_dma source(%dma_start3A_312 : memref<5000xf32, #tpu.memory_space<hbm>>) target(%arg19 : memref<5000xf32, #tpu.memory_space<vmem>>) target_semaphore(%run_scoped3A : memref<!tpu.dma_semaphore, #tpu.memory_space<semaphore_mem>>)
        %dma_wait3A = tpu.memref_slice %arg11[%add3A_55] : memref<800000xf32, #tpu.memory_space<hbm>> -> memref<5000xf32, #tpu.memory_space<hbm>>
        %dma_wait3A_313 = tpu.memref_slice %arg11[%add3A_55] : memref<800000xf32, #tpu.memory_space<hbm>> -> memref<5000xf32, #tpu.memory_space<hbm>>
        tpu.wait_dma2 semaphore(%run_scoped3A : memref<!tpu.dma_semaphore, #tpu.memory_space<semaphore_mem>>) src(%dma_wait3A_313 : memref<5000xf32, #tpu.memory_space<hbm>>) dst(%arg19 : memref<5000xf32, #tpu.memory_space<vmem>>)
        tpu.yield
      }) : () -> ()
      "tpu.region"() ({
        %run_scoped3A = tpu.sem_alloc : memref<!tpu.dma_semaphore, #tpu.memory_space<semaphore_mem>>
        %dma_start3A = arith.constant 0 : i32
        %dma_start3A_312 = tpu.memref_slice %arg21[%dma_start3A] : memref<1555200xf32, #tpu.memory_space<vmem_shared>> -> memref<1555200xf32, #tpu.memory_space<vmem_shared>>
        tpu.enqueue_indirect_dma source(%arg19 : memref<5000xf32, #tpu.memory_space<vmem>>) target(%dma_start3A_312 : memref<1555200xf32, #tpu.memory_space<vmem_shared>>) offsets(%arg18 : memref<5000xi32, #tpu.memory_space<vmem>>) semaphore(%run_scoped3A : memref<!tpu.dma_semaphore, #tpu.memory_space<semaphore_mem>>) {add = true}
        %dma_wait3A = arith.constant 0 : i32
        %dma_wait3A_313 = tpu.memref_slice %arg21[%dma_wait3A] : memref<1555200xf32, #tpu.memory_space<vmem_shared>> -> memref<1555200xf32, #tpu.memory_space<vmem_shared>>
        tpu.wait_indirect_dma semaphore(%run_scoped3A : memref<!tpu.dma_semaphore, #tpu.memory_space<semaphore_mem>>) src(%arg19 : memref<5000xf32, #tpu.memory_space<vmem>>) dst(%dma_wait3A_313 : memref<1555200xf32, #tpu.memory_space<vmem_shared>>)
        tpu.yield
      }) : () -> ()
      %scan3A_262 = arith.constant 0 : i32
      %scan3A_263 = arith.constant 0 : i32
      %scan3A_264 = arith.constant 312 : i32
      %scan3A_265 = arith.addi %scan3A_263, %scan3A_264 : i32
      %scan3A_266 = arith.constant 1 : i32
      scf.for %scan3A_312 = %scan3A_263 to %scan3A_265 step %scan3A_266  : i32 {
        %mul3A_313 = arith.constant 16 : i32
        %mul3A_314 = arith.muli %scan3A_312, %mul3A_313 : i32
        %get3A_315 = arith.index_cast %mul3A_314 : i32 to index
        %get3A_316 = tpu.vector_load %arg15[%get3A_315] {strides = array<i32>} : memref<5000xf32, #tpu.memory_space<vmem>>, vector<16xf32>,
        %get3A_317 = vector.shape_cast %get3A_316 : vector<16xf32> to vector<16xf32>
        %add3A_318 = arith.constant 3.024000e+05 : f32
        %add3A_319 = vector.broadcast %add3A_318 : f32 to vector<16xf32>
        %add3A_320 = arith.addf %get3A_317, %add3A_319 : vector<16xf32>
        %jit3A_321 = arith.constant 0.000000e+00 : f32
        %jit3A_322 = arith.constant 0x4A3DD7FC : f32
        %max3A_323 = vector.broadcast %jit3A_321 : f32 to vector<16xf32>
        %max3A_324 = arith.maximumf %max3A_323, %add3A_320 : vector<16xf32>
        %min3A_325 = vector.broadcast %jit3A_322 : f32 to vector<16xf32>
        %min3A_326 = arith.minimumf %min3A_325, %max3A_324 : vector<16xf32>
        %convert_element_type3A_327 = arith.fptosi %min3A_326 : vector<16xf32> to vector<16xi32>
        %sub3A_328 = vector.broadcast %mul3A_38 : i32 to vector<16xi32>
        %sub3A_329 = arith.subi %convert_element_type3A_327, %sub3A_328 : vector<16xi32>
        %swap3A_330 = arith.index_cast %mul3A_314 : i32 to index
        %swap3A_331 = tpu.vector_load %arg18[%swap3A_330] {strides = array<i32>} : memref<5000xi32, #tpu.memory_space<vmem>>, vector<16xi32>,
        %swap3A_332 = vector.shape_cast %swap3A_331 : vector<16xi32> to vector<16xi32>
        %swap3A_333 = vector.shape_cast %sub3A_329 : vector<16xi32> to vector<16xi32>
        tpu.vector_store %arg18[%swap3A_330], %swap3A_333 {strides = array<i32>} : memref<5000xi32, #tpu.memory_space<vmem>>, vector<16xi32>,
      }
      %scan3A_267 = arith.constant 312 : i32
      %get3A_268 = arith.constant 0 : index
      %get3A_269 = tpu.vector_load %arg20[%get3A_268] {strides = array<i32>} : memref<6480xf32, #tpu.memory_space<vmem>>, vector<16xf32>,
      %get3A_270 = vector.shape_cast %get3A_269 : vector<16xf32> to vector<16xf32>
      %add3A_271 = arith.constant 3.024000e+05 : f32
      %add3A_272 = vector.broadcast %add3A_271 : f32 to vector<16xf32>
      %add3A_273 = arith.addf %get3A_270, %add3A_272 : vector<16xf32>
      %jit3A_274 = arith.constant 0.000000e+00 : f32
      %jit3A_275 = arith.constant 0x4A3DD7FC : f32
      %max3A_276 = vector.broadcast %jit3A_274 : f32 to vector<16xf32>
      %max3A_277 = arith.maximumf %max3A_276, %add3A_273 : vector<16xf32>
      %min3A_278 = vector.broadcast %jit3A_275 : f32 to vector<16xf32>
      %min3A_279 = arith.minimumf %min3A_278, %max3A_277 : vector<16xf32>
      %convert_element_type3A_280 = arith.fptosi %min3A_279 : vector<16xf32> to vector<16xi32>
      %sub3A_281 = vector.broadcast %mul3A_38 : i32 to vector<16xi32>
      %sub3A_282 = arith.subi %convert_element_type3A_280, %sub3A_281 : vector<16xi32>
      %swap3A_283 = arith.constant 4984 : index
      %swap3A_284 = tpu.vector_load %arg18[%swap3A_283] {strides = array<i32>} : memref<5000xi32, #tpu.memory_space<vmem>>, vector<16xi32>,
      %swap3A_285 = vector.shape_cast %swap3A_284 : vector<16xi32> to vector<16xi32>
      %swap3A_286 = vector.shape_cast %sub3A_282 : vector<16xi32> to vector<16xi32>
      tpu.vector_store %arg18[%swap3A_283], %swap3A_286 {strides = array<i32>} : memref<5000xi32, #tpu.memory_space<vmem>>, vector<16xi32>,
      "tpu.region"() ({
        %run_scoped3A = tpu.sem_alloc : memref<!tpu.dma_semaphore, #tpu.memory_space<semaphore_mem>>
        %dma_start3A = tpu.memref_slice %arg12[%add3A_55] : memref<800000xf32, #tpu.memory_space<hbm>> -> memref<5000xf32, #tpu.memory_space<hbm>>
        %dma_start3A_312 = tpu.memref_slice %arg12[%add3A_55] : memref<800000xf32, #tpu.memory_space<hbm>> -> memref<5000xf32, #tpu.memory_space<hbm>>
        tpu.enqueue_dma source(%dma_start3A_312 : memref<5000xf32, #tpu.memory_space<hbm>>) target(%arg19 : memref<5000xf32, #tpu.memory_space<vmem>>) target_semaphore(%run_scoped3A : memref<!tpu.dma_semaphore, #tpu.memory_space<semaphore_mem>>)
        %dma_wait3A = tpu.memref_slice %arg12[%add3A_55] : memref<800000xf32, #tpu.memory_space<hbm>> -> memref<5000xf32, #tpu.memory_space<hbm>>
        %dma_wait3A_313 = tpu.memref_slice %arg12[%add3A_55] : memref<800000xf32, #tpu.memory_space<hbm>> -> memref<5000xf32, #tpu.memory_space<hbm>>
        tpu.wait_dma2 semaphore(%run_scoped3A : memref<!tpu.dma_semaphore, #tpu.memory_space<semaphore_mem>>) src(%dma_wait3A_313 : memref<5000xf32, #tpu.memory_space<hbm>>) dst(%arg19 : memref<5000xf32, #tpu.memory_space<vmem>>)
        tpu.yield
      }) : () -> ()
      "tpu.region"() ({
        %run_scoped3A = tpu.sem_alloc : memref<!tpu.dma_semaphore, #tpu.memory_space<semaphore_mem>>
        %dma_start3A = arith.constant 0 : i32
        %dma_start3A_312 = tpu.memref_slice %arg21[%dma_start3A] : memref<1555200xf32, #tpu.memory_space<vmem_shared>> -> memref<1555200xf32, #tpu.memory_space<vmem_shared>>
        tpu.enqueue_indirect_dma source(%arg19 : memref<5000xf32, #tpu.memory_space<vmem>>) target(%dma_start3A_312 : memref<1555200xf32, #tpu.memory_space<vmem_shared>>) offsets(%arg18 : memref<5000xi32, #tpu.memory_space<vmem>>) semaphore(%run_scoped3A : memref<!tpu.dma_semaphore, #tpu.memory_space<semaphore_mem>>) {add = true}
        %dma_wait3A = arith.constant 0 : i32
        %dma_wait3A_313 = tpu.memref_slice %arg21[%dma_wait3A] : memref<1555200xf32, #tpu.memory_space<vmem_shared>> -> memref<1555200xf32, #tpu.memory_space<vmem_shared>>
        tpu.wait_indirect_dma semaphore(%run_scoped3A : memref<!tpu.dma_semaphore, #tpu.memory_space<semaphore_mem>>) src(%arg19 : memref<5000xf32, #tpu.memory_space<vmem>>) dst(%dma_wait3A_313 : memref<1555200xf32, #tpu.memory_space<vmem_shared>>)
        tpu.yield
      }) : () -> ()
      %scan3A_287 = arith.constant 0 : i32
      %scan3A_288 = arith.constant 0 : i32
      %scan3A_289 = arith.constant 312 : i32
      %scan3A_290 = arith.addi %scan3A_288, %scan3A_289 : i32
      %scan3A_291 = arith.constant 1 : i32
      scf.for %scan3A_312 = %scan3A_288 to %scan3A_290 step %scan3A_291  : i32 {
        %mul3A_313 = arith.constant 16 : i32
        %mul3A_314 = arith.muli %scan3A_312, %mul3A_313 : i32
        %get3A_315 = arith.index_cast %mul3A_314 : i32 to index
        %get3A_316 = tpu.vector_load %arg15[%get3A_315] {strides = array<i32>} : memref<5000xf32, #tpu.memory_space<vmem>>, vector<16xf32>,
        %get3A_317 = vector.shape_cast %get3A_316 : vector<16xf32> to vector<16xf32>
        %add3A_318 = arith.constant 3.456000e+05 : f32
        %add3A_319 = vector.broadcast %add3A_318 : f32 to vector<16xf32>
        %add3A_320 = arith.addf %get3A_317, %add3A_319 : vector<16xf32>
        %jit3A_321 = arith.constant 0.000000e+00 : f32
        %jit3A_322 = arith.constant 0x4A3DD7FC : f32
        %max3A_323 = vector.broadcast %jit3A_321 : f32 to vector<16xf32>
        %max3A_324 = arith.maximumf %max3A_323, %add3A_320 : vector<16xf32>
        %min3A_325 = vector.broadcast %jit3A_322 : f32 to vector<16xf32>
        %min3A_326 = arith.minimumf %min3A_325, %max3A_324 : vector<16xf32>
        %convert_element_type3A_327 = arith.fptosi %min3A_326 : vector<16xf32> to vector<16xi32>
        %sub3A_328 = vector.broadcast %mul3A_38 : i32 to vector<16xi32>
        %sub3A_329 = arith.subi %convert_element_type3A_327, %sub3A_328 : vector<16xi32>
        %swap3A_330 = arith.index_cast %mul3A_314 : i32 to index
        %swap3A_331 = tpu.vector_load %arg18[%swap3A_330] {strides = array<i32>} : memref<5000xi32, #tpu.memory_space<vmem>>, vector<16xi32>,
        %swap3A_332 = vector.shape_cast %swap3A_331 : vector<16xi32> to vector<16xi32>
        %swap3A_333 = vector.shape_cast %sub3A_329 : vector<16xi32> to vector<16xi32>
        tpu.vector_store %arg18[%swap3A_330], %swap3A_333 {strides = array<i32>} : memref<5000xi32, #tpu.memory_space<vmem>>, vector<16xi32>,
      }
      %scan3A_292 = arith.constant 312 : i32
      %get3A_293 = arith.constant 0 : index
      %get3A_294 = tpu.vector_load %arg20[%get3A_293] {strides = array<i32>} : memref<6480xf32, #tpu.memory_space<vmem>>, vector<16xf32>,
      %get3A_295 = vector.shape_cast %get3A_294 : vector<16xf32> to vector<16xf32>
      %add3A_296 = arith.constant 3.456000e+05 : f32
      %add3A_297 = vector.broadcast %add3A_296 : f32 to vector<16xf32>
      %add3A_298 = arith.addf %get3A_295, %add3A_297 : vector<16xf32>
      %jit3A_299 = arith.constant 0.000000e+00 : f32
      %jit3A_300 = arith.constant 0x4A3DD7FC : f32
      %max3A_301 = vector.broadcast %jit3A_299 : f32 to vector<16xf32>
      %max3A_302 = arith.maximumf %max3A_301, %add3A_298 : vector<16xf32>
      %min3A_303 = vector.broadcast %jit3A_300 : f32 to vector<16xf32>
      %min3A_304 = arith.minimumf %min3A_303, %max3A_302 : vector<16xf32>
      %convert_element_type3A_305 = arith.fptosi %min3A_304 : vector<16xf32> to vector<16xi32>
      %sub3A_306 = vector.broadcast %mul3A_38 : i32 to vector<16xi32>
      %sub3A_307 = arith.subi %convert_element_type3A_305, %sub3A_306 : vector<16xi32>
      %swap3A_308 = arith.constant 4984 : index
      %swap3A_309 = tpu.vector_load %arg18[%swap3A_308] {strides = array<i32>} : memref<5000xi32, #tpu.memory_space<vmem>>, vector<16xi32>,
      %swap3A_310 = vector.shape_cast %swap3A_309 : vector<16xi32> to vector<16xi32>
      %swap3A_311 = vector.shape_cast %sub3A_307 : vector<16xi32> to vector<16xi32>
      tpu.vector_store %arg18[%swap3A_308], %swap3A_311 {strides = array<i32>} : memref<5000xi32, #tpu.memory_space<vmem>>, vector<16xi32>,
      "tpu.region"() ({
        %run_scoped3A = tpu.sem_alloc : memref<!tpu.dma_semaphore, #tpu.memory_space<semaphore_mem>>
        %dma_start3A = tpu.memref_slice %arg13[%add3A_55] : memref<800000xf32, #tpu.memory_space<hbm>> -> memref<5000xf32, #tpu.memory_space<hbm>>
        %dma_start3A_312 = tpu.memref_slice %arg13[%add3A_55] : memref<800000xf32, #tpu.memory_space<hbm>> -> memref<5000xf32, #tpu.memory_space<hbm>>
        tpu.enqueue_dma source(%dma_start3A_312 : memref<5000xf32, #tpu.memory_space<hbm>>) target(%arg19 : memref<5000xf32, #tpu.memory_space<vmem>>) target_semaphore(%run_scoped3A : memref<!tpu.dma_semaphore, #tpu.memory_space<semaphore_mem>>)
        %dma_wait3A = tpu.memref_slice %arg13[%add3A_55] : memref<800000xf32, #tpu.memory_space<hbm>> -> memref<5000xf32, #tpu.memory_space<hbm>>
        %dma_wait3A_313 = tpu.memref_slice %arg13[%add3A_55] : memref<800000xf32, #tpu.memory_space<hbm>> -> memref<5000xf32, #tpu.memory_space<hbm>>
        tpu.wait_dma2 semaphore(%run_scoped3A : memref<!tpu.dma_semaphore, #tpu.memory_space<semaphore_mem>>) src(%dma_wait3A_313 : memref<5000xf32, #tpu.memory_space<hbm>>) dst(%arg19 : memref<5000xf32, #tpu.memory_space<vmem>>)
        tpu.yield
      }) : () -> ()
      "tpu.region"() ({
        %run_scoped3A = tpu.sem_alloc : memref<!tpu.dma_semaphore, #tpu.memory_space<semaphore_mem>>
        %dma_start3A = arith.constant 0 : i32
        %dma_start3A_312 = tpu.memref_slice %arg21[%dma_start3A] : memref<1555200xf32, #tpu.memory_space<vmem_shared>> -> memref<1555200xf32, #tpu.memory_space<vmem_shared>>
        tpu.enqueue_indirect_dma source(%arg19 : memref<5000xf32, #tpu.memory_space<vmem>>) target(%dma_start3A_312 : memref<1555200xf32, #tpu.memory_space<vmem_shared>>) offsets(%arg18 : memref<5000xi32, #tpu.memory_space<vmem>>) semaphore(%run_scoped3A : memref<!tpu.dma_semaphore, #tpu.memory_space<semaphore_mem>>) {add = true}
        %dma_wait3A = arith.constant 0 : i32
        %dma_wait3A_313 = tpu.memref_slice %arg21[%dma_wait3A] : memref<1555200xf32, #tpu.memory_space<vmem_shared>> -> memref<1555200xf32, #tpu.memory_space<vmem_shared>>
        tpu.wait_indirect_dma semaphore(%run_scoped3A : memref<!tpu.dma_semaphore, #tpu.memory_space<semaphore_mem>>) src(%arg19 : memref<5000xf32, #tpu.memory_space<vmem>>) dst(%dma_wait3A_313 : memref<1555200xf32, #tpu.memory_space<vmem_shared>>)
        tpu.yield
      }) : () -> ()
    }
    %scan3A_44 = arith.constant 5 : i32
    %barrier3A_45 = arith.constant 0 : index
    tpu.barrier barrier_id(%barrier3A_45)
    %scan3A_46 = arith.constant 0 : i32
    %scan3A_47 = arith.constant 0 : i32
    %scan3A_48 = arith.constant 15 : i32
    %scan3A_49 = arith.addi %scan3A_47, %scan3A_48 : i32
    %scan3A_50 = arith.constant 1 : i32
    scf.for %scan3A_52 = %scan3A_47 to %scan3A_49 step %scan3A_50  : i32 {
      %mul3A_53 = arith.constant 6480 : i32
      %mul3A_54 = arith.muli %scan3A_52, %mul3A_53 : i32
      %add3A_55 = arith.addi %mul3A_5, %mul3A_54 : i32
      "tpu.region"() ({
        %run_scoped3A = tpu.sem_alloc : memref<!tpu.dma_semaphore, #tpu.memory_space<semaphore_mem>>
        %dma_start3A = tpu.memref_slice %arg21[%add3A_55] : memref<1555200xf32, #tpu.memory_space<vmem_shared>> -> memref<6480xf32, #tpu.memory_space<vmem_shared>>
        %dma_start3A_62 = tpu.memref_slice %arg21[%add3A_55] : memref<1555200xf32, #tpu.memory_space<vmem_shared>> -> memref<6480xf32, #tpu.memory_space<vmem_shared>>
        tpu.enqueue_dma source(%dma_start3A_62 : memref<6480xf32, #tpu.memory_space<vmem_shared>>) target(%arg20 : memref<6480xf32, #tpu.memory_space<vmem>>) target_semaphore(%run_scoped3A : memref<!tpu.dma_semaphore, #tpu.memory_space<semaphore_mem>>)
        %dma_wait3A = tpu.memref_slice %arg21[%add3A_55] : memref<1555200xf32, #tpu.memory_space<vmem_shared>> -> memref<6480xf32, #tpu.memory_space<vmem_shared>>
        %dma_wait3A_63 = tpu.memref_slice %arg21[%add3A_55] : memref<1555200xf32, #tpu.memory_space<vmem_shared>> -> memref<6480xf32, #tpu.memory_space<vmem_shared>>
        tpu.wait_dma2 semaphore(%run_scoped3A : memref<!tpu.dma_semaphore, #tpu.memory_space<semaphore_mem>>) src(%dma_wait3A_63 : memref<6480xf32, #tpu.memory_space<vmem_shared>>) dst(%arg20 : memref<6480xf32, #tpu.memory_space<vmem>>)
        tpu.yield
      }) : () -> ()
      %mul3A_56 = arith.constant 1555200 : i32
      %mul3A_57 = arith.muli %arg0, %mul3A_56 : i32
      %add3A_58 = arith.addi %mul3A_57, %mul3A_5 : i32
      %mul3A_59 = arith.constant 6480 : i32
      %mul3A_60 = arith.muli %scan3A_52, %mul3A_59 : i32
      %add3A_61 = arith.addi %add3A_58, %mul3A_60 : i32
      "tpu.region"() ({
        %run_scoped3A = tpu.sem_alloc : memref<!tpu.dma_semaphore, #tpu.memory_space<semaphore_mem>>
        %dma_start3A = tpu.memref_slice %arg14[%add3A_61] : memref<3110400xf32, #tpu.memory_space<hbm>> -> memref<6480xf32, #tpu.memory_space<hbm>>
        %dma_start3A_62 = tpu.memref_slice %arg14[%add3A_61] : memref<3110400xf32, #tpu.memory_space<hbm>> -> memref<6480xf32, #tpu.memory_space<hbm>>
        tpu.enqueue_dma source(%arg20 : memref<6480xf32, #tpu.memory_space<vmem>>) target(%dma_start3A_62 : memref<6480xf32, #tpu.memory_space<hbm>>) target_semaphore(%run_scoped3A : memref<!tpu.dma_semaphore, #tpu.memory_space<semaphore_mem>>)
        %dma_wait3A = tpu.memref_slice %arg14[%add3A_61] : memref<3110400xf32, #tpu.memory_space<hbm>> -> memref<6480xf32, #tpu.memory_space<hbm>>
        %dma_wait3A_63 = tpu.memref_slice %arg14[%add3A_61] : memref<3110400xf32, #tpu.memory_space<hbm>> -> memref<6480xf32, #tpu.memory_space<hbm>>
        tpu.wait_dma2 semaphore(%run_scoped3A : memref<!tpu.dma_semaphore, #tpu.memory_space<semaphore_mem>>) src(%arg20 : memref<6480xf32, #tpu.memory_space<vmem>>) dst(%dma_wait3A_63 : memref<6480xf32, #tpu.memory_space<hbm>>)
        tpu.yield
      }) : () -> ()
    }
    %scan3A_51 = arith.constant 15 : i32
    return
  }
}

module attributes {stable_mosaic.version = 14 : i64} {
  func.func @_tc_body(%arg0: i32, %arg1: memref<16384xf32, #tpu.memory_space<vmem>>, %arg2: memref<128x1xf32, #tpu.memory_space<vmem>>, %arg3: memref<128x9xf32, #tpu.memory_space<vmem>>, %arg4: memref<128x128xf32, #tpu.memory_space<vmem>>, %arg5: memref<128x1xf32, #tpu.memory_space<vmem>>, %arg6: memref<128x1xf32, #tpu.memory_space<vmem>>, %arg7: memref<1x1xf32, #tpu.memory_space<vmem>>, %arg8: memref<16384xf32, #tpu.memory_space<vmem>>, %arg9: memref<16384xf32, #tpu.memory_space<vmem>>, %arg10: memref<16384xf32, #tpu.memory_space<vmem>>, %arg11: memref<16384xf32, #tpu.memory_space<vmem>>, %arg12: memref<16384xf32, #tpu.memory_space<vmem>>, %arg13: memref<16384xf32, #tpu.memory_space<vmem>>, %arg14: memref<16384xf32, #tpu.memory_space<vmem>>, %arg15: memref<16384xf32, #tpu.memory_space<vmem>>, %arg16: memref<16384xf32, #tpu.memory_space<vmem>>) attributes {dimension_semantics = [#tpu.dimension_semantics<arbitrary>], iteration_bounds = array<i64: 49>, scalar_prefetch = 0 : i64, scratch_operands = 0 : i64, tpu.core_type = #tpu.core_type<tc>, window_params = [{transform_indices = @transform_0, window_bounds = array<i64: 16384>}, {pipeline_mode = #tpu.pipeline_mode<synchronous>, transform_indices = @transform_1, window_bounds = array<i64: 128, 1>}, {pipeline_mode = #tpu.pipeline_mode<synchronous>, transform_indices = @transform_2, window_bounds = array<i64: 128, 9>}, {pipeline_mode = #tpu.pipeline_mode<synchronous>, transform_indices = @transform_3, window_bounds = array<i64: 128, 128>}, {pipeline_mode = #tpu.pipeline_mode<synchronous>, transform_indices = @transform_4, window_bounds = array<i64: 128, 1>}, {pipeline_mode = #tpu.pipeline_mode<synchronous>, transform_indices = @transform_5, window_bounds = array<i64: 128, 1>}, {pipeline_mode = #tpu.pipeline_mode<synchronous>, transform_indices = @transform_6, window_bounds = array<i64: 1, 1>}, {transform_indices = @transform_7, window_bounds = array<i64: 16384>}, {transform_indices = @transform_8, window_bounds = array<i64: 16384>}, {transform_indices = @transform_9, window_bounds = array<i64: 16384>}, {transform_indices = @transform_10, window_bounds = array<i64: 16384>}, {transform_indices = @transform_11, window_bounds = array<i64: 16384>}, {transform_indices = @transform_12, window_bounds = array<i64: 16384>}, {transform_indices = @transform_13, window_bounds = array<i64: 16384>}, {transform_indices = @transform_14, window_bounds = array<i64: 16384>}, {transform_indices = @transform_15, window_bounds = array<i64: 16384>}]} {
    %get3A = arith.constant 0 : index
    %get3A_0 = vector.load %arg1[%get3A] : memref<16384xf32, #tpu.memory_space<vmem>>, vector<16384xf32>
    %broadcast_in_dim3A = vector.shape_cast %get3A_0 : vector<16384xf32> to vector<1x16384xf32>
    %get3A_1 = arith.constant 0 : index
    %get3A_2 = arith.constant 0 : index
    %get3A_3 = vector.load %arg2[%get3A_1, %get3A_2] : memref<128x1xf32, #tpu.memory_space<vmem>>, vector<128x1xf32>
    %get3A_4 = arith.constant 0 : index
    %get3A_5 = arith.constant 0 : index
    %get3A_6 = vector.load %arg4[%get3A_4, %get3A_5] : memref<128x128xf32, #tpu.memory_space<vmem>>, vector<128x128xf32>
    %get3A_7 = arith.constant 0 : index
    %get3A_8 = arith.constant 0 : index
    %get3A_9 = vector.load %arg5[%get3A_7, %get3A_8] : memref<128x1xf32, #tpu.memory_space<vmem>>, vector<128x1xf32>
    %get3A_10 = arith.constant 0 : index
    %get3A_11 = arith.constant 0 : index
    %get3A_12 = vector.load %arg6[%get3A_10, %get3A_11] : memref<128x1xf32, #tpu.memory_space<vmem>>, vector<128x1xf32>
    %get3A_13 = arith.constant 0 : index
    %get3A_14 = arith.constant 0 : index
    %get3A_15 = vector.load %arg7[%get3A_13, %get3A_14] : memref<1x1xf32, #tpu.memory_space<vmem>>, vector<1x1xf32>
    %get3A_16 = vector.extract %get3A_15[0, 0] : f32 from vector<1x1xf32>
    %mul3A = vector.broadcast %get3A_3 : vector<128x1xf32> to vector<128x16384xf32>
    %mul3A_17 = vector.broadcast %broadcast_in_dim3A : vector<1x16384xf32> to vector<128x16384xf32>
    %mul3A_18 = arith.mulf %mul3A, %mul3A_17 : vector<128x16384xf32>
    %get3A_19 = arith.constant 0 : index
    %get3A_20 = arith.constant 0 : index
    %get3A_21 = vector.load %arg3[%get3A_19, %get3A_20] : memref<128x9xf32, #tpu.memory_space<vmem>>, vector<128x1xf32>
    %add3A = vector.broadcast %get3A_21 : vector<128x1xf32> to vector<128x16384xf32>
    %add3A_22 = arith.addf %mul3A_18, %add3A : vector<128x16384xf32>
    %mul3A_23 = arith.constant 1.000000e-01 : f32
    %mul3A_24 = vector.broadcast %mul3A_23 : f32 to vector<128x16384xf32>
    %mul3A_25 = arith.mulf %mul3A_24, %add3A_22 : vector<128x16384xf32>
    %max3A = arith.maximumf %add3A_22, %mul3A_25 : vector<128x16384xf32>
    %dot_general3A = arith.constant dense<0.000000e+00> : vector<128x16384xf32>
    %dot_general3A_26 = tpu.matmul %get3A_6, %max3A, %dot_general3A {dimension_numbers = #tpu.dot_dimension_numbers<[1], [0], [0], [1], [0, 0, 1, 1], [], []>, transpose_lhs_hint = false} : vector<128x128xf32>, vector<128x16384xf32>, vector<128x16384xf32> -> vector<128x16384xf32>
    %add3A_27 = vector.broadcast %get3A_9 : vector<128x1xf32> to vector<128x16384xf32>
    %add3A_28 = arith.addf %dot_general3A_26, %add3A_27 : vector<128x16384xf32>
    %mul3A_29 = arith.constant 1.000000e-01 : f32
    %mul3A_30 = vector.broadcast %mul3A_29 : f32 to vector<128x16384xf32>
    %mul3A_31 = arith.mulf %mul3A_30, %add3A_28 : vector<128x16384xf32>
    %max3A_32 = arith.maximumf %add3A_28, %mul3A_31 : vector<128x16384xf32>
    %mul3A_33 = vector.broadcast %get3A_12 : vector<128x1xf32> to vector<128x16384xf32>
    %mul3A_34 = arith.mulf %max3A_32, %mul3A_33 : vector<128x16384xf32>
    %reduce_sum3A = arith.constant dense<0.000000e+00> : vector<16384xf32>
    %reduce_sum3A_35 = vector.multi_reduction <add>, %mul3A_34, %reduce_sum3A [0] : vector<128x16384xf32> to vector<16384xf32>
    %broadcast_in_dim3A_36 = vector.shape_cast %reduce_sum3A_35 : vector<16384xf32> to vector<1x16384xf32>
    %add3A_37 = vector.broadcast %get3A_16 : f32 to vector<1x16384xf32>
    %add3A_38 = arith.addf %broadcast_in_dim3A_36, %add3A_37 : vector<1x16384xf32>
    %mul3A_39 = arith.mulf %broadcast_in_dim3A, %add3A_38 : vector<1x16384xf32>
    %squeeze3A = vector.shape_cast %mul3A_39 : vector<1x16384xf32> to vector<16384xf32>
    %swap3A = arith.constant 0 : index
    %swap3A_40 = vector.load %arg8[%swap3A] : memref<16384xf32, #tpu.memory_space<vmem>>, vector<16384xf32>
    tpu.vector_store %arg8[%swap3A], %squeeze3A {strides = array<i32>} : memref<16384xf32, #tpu.memory_space<vmem>>, vector<16384xf32>,
    %get3A_41 = arith.constant 0 : index
    %get3A_42 = arith.constant 1 : index
    %get3A_43 = vector.load %arg3[%get3A_41, %get3A_42] : memref<128x9xf32, #tpu.memory_space<vmem>>, vector<128x1xf32>
    %add3A_44 = vector.broadcast %get3A_43 : vector<128x1xf32> to vector<128x16384xf32>
    %add3A_45 = arith.addf %mul3A_18, %add3A_44 : vector<128x16384xf32>
    %mul3A_46 = arith.constant 1.000000e-01 : f32
    %mul3A_47 = vector.broadcast %mul3A_46 : f32 to vector<128x16384xf32>
    %mul3A_48 = arith.mulf %mul3A_47, %add3A_45 : vector<128x16384xf32>
    %max3A_49 = arith.maximumf %add3A_45, %mul3A_48 : vector<128x16384xf32>
    %dot_general3A_50 = arith.constant dense<0.000000e+00> : vector<128x16384xf32>
    %dot_general3A_51 = tpu.matmul %get3A_6, %max3A_49, %dot_general3A_50 {dimension_numbers = #tpu.dot_dimension_numbers<[1], [0], [0], [1], [0, 0, 1, 1], [], []>, transpose_lhs_hint = false} : vector<128x128xf32>, vector<128x16384xf32>, vector<128x16384xf32> -> vector<128x16384xf32>
    %add3A_52 = vector.broadcast %get3A_9 : vector<128x1xf32> to vector<128x16384xf32>
    %add3A_53 = arith.addf %dot_general3A_51, %add3A_52 : vector<128x16384xf32>
    %mul3A_54 = arith.constant 1.000000e-01 : f32
    %mul3A_55 = vector.broadcast %mul3A_54 : f32 to vector<128x16384xf32>
    %mul3A_56 = arith.mulf %mul3A_55, %add3A_53 : vector<128x16384xf32>
    %max3A_57 = arith.maximumf %add3A_53, %mul3A_56 : vector<128x16384xf32>
    %mul3A_58 = vector.broadcast %get3A_12 : vector<128x1xf32> to vector<128x16384xf32>
    %mul3A_59 = arith.mulf %max3A_57, %mul3A_58 : vector<128x16384xf32>
    %reduce_sum3A_60 = arith.constant dense<0.000000e+00> : vector<16384xf32>
    %reduce_sum3A_61 = vector.multi_reduction <add>, %mul3A_59, %reduce_sum3A_60 [0] : vector<128x16384xf32> to vector<16384xf32>
    %broadcast_in_dim3A_62 = vector.shape_cast %reduce_sum3A_61 : vector<16384xf32> to vector<1x16384xf32>
    %add3A_63 = vector.broadcast %get3A_16 : f32 to vector<1x16384xf32>
    %add3A_64 = arith.addf %broadcast_in_dim3A_62, %add3A_63 : vector<1x16384xf32>
    %mul3A_65 = arith.mulf %broadcast_in_dim3A, %add3A_64 : vector<1x16384xf32>
    %squeeze3A_66 = vector.shape_cast %mul3A_65 : vector<1x16384xf32> to vector<16384xf32>
    %swap3A_67 = arith.constant 0 : index
    %swap3A_68 = vector.load %arg9[%swap3A_67] : memref<16384xf32, #tpu.memory_space<vmem>>, vector<16384xf32>
    tpu.vector_store %arg9[%swap3A_67], %squeeze3A_66 {strides = array<i32>} : memref<16384xf32, #tpu.memory_space<vmem>>, vector<16384xf32>,
    %get3A_69 = arith.constant 0 : index
    %get3A_70 = arith.constant 2 : index
    %get3A_71 = vector.load %arg3[%get3A_69, %get3A_70] : memref<128x9xf32, #tpu.memory_space<vmem>>, vector<128x1xf32>
    %add3A_72 = vector.broadcast %get3A_71 : vector<128x1xf32> to vector<128x16384xf32>
    %add3A_73 = arith.addf %mul3A_18, %add3A_72 : vector<128x16384xf32>
    %mul3A_74 = arith.constant 1.000000e-01 : f32
    %mul3A_75 = vector.broadcast %mul3A_74 : f32 to vector<128x16384xf32>
    %mul3A_76 = arith.mulf %mul3A_75, %add3A_73 : vector<128x16384xf32>
    %max3A_77 = arith.maximumf %add3A_73, %mul3A_76 : vector<128x16384xf32>
    %dot_general3A_78 = arith.constant dense<0.000000e+00> : vector<128x16384xf32>
    %dot_general3A_79 = tpu.matmul %get3A_6, %max3A_77, %dot_general3A_78 {dimension_numbers = #tpu.dot_dimension_numbers<[1], [0], [0], [1], [0, 0, 1, 1], [], []>, transpose_lhs_hint = false} : vector<128x128xf32>, vector<128x16384xf32>, vector<128x16384xf32> -> vector<128x16384xf32>
    %add3A_80 = vector.broadcast %get3A_9 : vector<128x1xf32> to vector<128x16384xf32>
    %add3A_81 = arith.addf %dot_general3A_79, %add3A_80 : vector<128x16384xf32>
    %mul3A_82 = arith.constant 1.000000e-01 : f32
    %mul3A_83 = vector.broadcast %mul3A_82 : f32 to vector<128x16384xf32>
    %mul3A_84 = arith.mulf %mul3A_83, %add3A_81 : vector<128x16384xf32>
    %max3A_85 = arith.maximumf %add3A_81, %mul3A_84 : vector<128x16384xf32>
    %mul3A_86 = vector.broadcast %get3A_12 : vector<128x1xf32> to vector<128x16384xf32>
    %mul3A_87 = arith.mulf %max3A_85, %mul3A_86 : vector<128x16384xf32>
    %reduce_sum3A_88 = arith.constant dense<0.000000e+00> : vector<16384xf32>
    %reduce_sum3A_89 = vector.multi_reduction <add>, %mul3A_87, %reduce_sum3A_88 [0] : vector<128x16384xf32> to vector<16384xf32>
    %broadcast_in_dim3A_90 = vector.shape_cast %reduce_sum3A_89 : vector<16384xf32> to vector<1x16384xf32>
    %add3A_91 = vector.broadcast %get3A_16 : f32 to vector<1x16384xf32>
    %add3A_92 = arith.addf %broadcast_in_dim3A_90, %add3A_91 : vector<1x16384xf32>
    %mul3A_93 = arith.mulf %broadcast_in_dim3A, %add3A_92 : vector<1x16384xf32>
    %squeeze3A_94 = vector.shape_cast %mul3A_93 : vector<1x16384xf32> to vector<16384xf32>
    %swap3A_95 = arith.constant 0 : index
    %swap3A_96 = vector.load %arg10[%swap3A_95] : memref<16384xf32, #tpu.memory_space<vmem>>, vector<16384xf32>
    tpu.vector_store %arg10[%swap3A_95], %squeeze3A_94 {strides = array<i32>} : memref<16384xf32, #tpu.memory_space<vmem>>, vector<16384xf32>,
    %get3A_97 = arith.constant 0 : index
    %get3A_98 = arith.constant 3 : index
    %get3A_99 = vector.load %arg3[%get3A_97, %get3A_98] : memref<128x9xf32, #tpu.memory_space<vmem>>, vector<128x1xf32>
    %add3A_100 = vector.broadcast %get3A_99 : vector<128x1xf32> to vector<128x16384xf32>
    %add3A_101 = arith.addf %mul3A_18, %add3A_100 : vector<128x16384xf32>
    %mul3A_102 = arith.constant 1.000000e-01 : f32
    %mul3A_103 = vector.broadcast %mul3A_102 : f32 to vector<128x16384xf32>
    %mul3A_104 = arith.mulf %mul3A_103, %add3A_101 : vector<128x16384xf32>
    %max3A_105 = arith.maximumf %add3A_101, %mul3A_104 : vector<128x16384xf32>
    %dot_general3A_106 = arith.constant dense<0.000000e+00> : vector<128x16384xf32>
    %dot_general3A_107 = tpu.matmul %get3A_6, %max3A_105, %dot_general3A_106 {dimension_numbers = #tpu.dot_dimension_numbers<[1], [0], [0], [1], [0, 0, 1, 1], [], []>, transpose_lhs_hint = false} : vector<128x128xf32>, vector<128x16384xf32>, vector<128x16384xf32> -> vector<128x16384xf32>
    %add3A_108 = vector.broadcast %get3A_9 : vector<128x1xf32> to vector<128x16384xf32>
    %add3A_109 = arith.addf %dot_general3A_107, %add3A_108 : vector<128x16384xf32>
    %mul3A_110 = arith.constant 1.000000e-01 : f32
    %mul3A_111 = vector.broadcast %mul3A_110 : f32 to vector<128x16384xf32>
    %mul3A_112 = arith.mulf %mul3A_111, %add3A_109 : vector<128x16384xf32>
    %max3A_113 = arith.maximumf %add3A_109, %mul3A_112 : vector<128x16384xf32>
    %mul3A_114 = vector.broadcast %get3A_12 : vector<128x1xf32> to vector<128x16384xf32>
    %mul3A_115 = arith.mulf %max3A_113, %mul3A_114 : vector<128x16384xf32>
    %reduce_sum3A_116 = arith.constant dense<0.000000e+00> : vector<16384xf32>
    %reduce_sum3A_117 = vector.multi_reduction <add>, %mul3A_115, %reduce_sum3A_116 [0] : vector<128x16384xf32> to vector<16384xf32>
    %broadcast_in_dim3A_118 = vector.shape_cast %reduce_sum3A_117 : vector<16384xf32> to vector<1x16384xf32>
    %add3A_119 = vector.broadcast %get3A_16 : f32 to vector<1x16384xf32>
    %add3A_120 = arith.addf %broadcast_in_dim3A_118, %add3A_119 : vector<1x16384xf32>
    %mul3A_121 = arith.mulf %broadcast_in_dim3A, %add3A_120 : vector<1x16384xf32>
    %squeeze3A_122 = vector.shape_cast %mul3A_121 : vector<1x16384xf32> to vector<16384xf32>
    %swap3A_123 = arith.constant 0 : index
    %swap3A_124 = vector.load %arg11[%swap3A_123] : memref<16384xf32, #tpu.memory_space<vmem>>, vector<16384xf32>
    tpu.vector_store %arg11[%swap3A_123], %squeeze3A_122 {strides = array<i32>} : memref<16384xf32, #tpu.memory_space<vmem>>, vector<16384xf32>,
    %get3A_125 = arith.constant 0 : index
    %get3A_126 = arith.constant 4 : index
    %get3A_127 = vector.load %arg3[%get3A_125, %get3A_126] : memref<128x9xf32, #tpu.memory_space<vmem>>, vector<128x1xf32>
    %add3A_128 = vector.broadcast %get3A_127 : vector<128x1xf32> to vector<128x16384xf32>
    %add3A_129 = arith.addf %mul3A_18, %add3A_128 : vector<128x16384xf32>
    %mul3A_130 = arith.constant 1.000000e-01 : f32
    %mul3A_131 = vector.broadcast %mul3A_130 : f32 to vector<128x16384xf32>
    %mul3A_132 = arith.mulf %mul3A_131, %add3A_129 : vector<128x16384xf32>
    %max3A_133 = arith.maximumf %add3A_129, %mul3A_132 : vector<128x16384xf32>
    %dot_general3A_134 = arith.constant dense<0.000000e+00> : vector<128x16384xf32>
    %dot_general3A_135 = tpu.matmul %get3A_6, %max3A_133, %dot_general3A_134 {dimension_numbers = #tpu.dot_dimension_numbers<[1], [0], [0], [1], [0, 0, 1, 1], [], []>, transpose_lhs_hint = false} : vector<128x128xf32>, vector<128x16384xf32>, vector<128x16384xf32> -> vector<128x16384xf32>
    %add3A_136 = vector.broadcast %get3A_9 : vector<128x1xf32> to vector<128x16384xf32>
    %add3A_137 = arith.addf %dot_general3A_135, %add3A_136 : vector<128x16384xf32>
    %mul3A_138 = arith.constant 1.000000e-01 : f32
    %mul3A_139 = vector.broadcast %mul3A_138 : f32 to vector<128x16384xf32>
    %mul3A_140 = arith.mulf %mul3A_139, %add3A_137 : vector<128x16384xf32>
    %max3A_141 = arith.maximumf %add3A_137, %mul3A_140 : vector<128x16384xf32>
    %mul3A_142 = vector.broadcast %get3A_12 : vector<128x1xf32> to vector<128x16384xf32>
    %mul3A_143 = arith.mulf %max3A_141, %mul3A_142 : vector<128x16384xf32>
    %reduce_sum3A_144 = arith.constant dense<0.000000e+00> : vector<16384xf32>
    %reduce_sum3A_145 = vector.multi_reduction <add>, %mul3A_143, %reduce_sum3A_144 [0] : vector<128x16384xf32> to vector<16384xf32>
    %broadcast_in_dim3A_146 = vector.shape_cast %reduce_sum3A_145 : vector<16384xf32> to vector<1x16384xf32>
    %add3A_147 = vector.broadcast %get3A_16 : f32 to vector<1x16384xf32>
    %add3A_148 = arith.addf %broadcast_in_dim3A_146, %add3A_147 : vector<1x16384xf32>
    %mul3A_149 = arith.mulf %broadcast_in_dim3A, %add3A_148 : vector<1x16384xf32>
    %squeeze3A_150 = vector.shape_cast %mul3A_149 : vector<1x16384xf32> to vector<16384xf32>
    %swap3A_151 = arith.constant 0 : index
    %swap3A_152 = vector.load %arg12[%swap3A_151] : memref<16384xf32, #tpu.memory_space<vmem>>, vector<16384xf32>
    tpu.vector_store %arg12[%swap3A_151], %squeeze3A_150 {strides = array<i32>} : memref<16384xf32, #tpu.memory_space<vmem>>, vector<16384xf32>,
    %get3A_153 = arith.constant 0 : index
    %get3A_154 = arith.constant 5 : index
    %get3A_155 = vector.load %arg3[%get3A_153, %get3A_154] : memref<128x9xf32, #tpu.memory_space<vmem>>, vector<128x1xf32>
    %add3A_156 = vector.broadcast %get3A_155 : vector<128x1xf32> to vector<128x16384xf32>
    %add3A_157 = arith.addf %mul3A_18, %add3A_156 : vector<128x16384xf32>
    %mul3A_158 = arith.constant 1.000000e-01 : f32
    %mul3A_159 = vector.broadcast %mul3A_158 : f32 to vector<128x16384xf32>
    %mul3A_160 = arith.mulf %mul3A_159, %add3A_157 : vector<128x16384xf32>
    %max3A_161 = arith.maximumf %add3A_157, %mul3A_160 : vector<128x16384xf32>
    %dot_general3A_162 = arith.constant dense<0.000000e+00> : vector<128x16384xf32>
    %dot_general3A_163 = tpu.matmul %get3A_6, %max3A_161, %dot_general3A_162 {dimension_numbers = #tpu.dot_dimension_numbers<[1], [0], [0], [1], [0, 0, 1, 1], [], []>, transpose_lhs_hint = false} : vector<128x128xf32>, vector<128x16384xf32>, vector<128x16384xf32> -> vector<128x16384xf32>
    %add3A_164 = vector.broadcast %get3A_9 : vector<128x1xf32> to vector<128x16384xf32>
    %add3A_165 = arith.addf %dot_general3A_163, %add3A_164 : vector<128x16384xf32>
    %mul3A_166 = arith.constant 1.000000e-01 : f32
    %mul3A_167 = vector.broadcast %mul3A_166 : f32 to vector<128x16384xf32>
    %mul3A_168 = arith.mulf %mul3A_167, %add3A_165 : vector<128x16384xf32>
    %max3A_169 = arith.maximumf %add3A_165, %mul3A_168 : vector<128x16384xf32>
    %mul3A_170 = vector.broadcast %get3A_12 : vector<128x1xf32> to vector<128x16384xf32>
    %mul3A_171 = arith.mulf %max3A_169, %mul3A_170 : vector<128x16384xf32>
    %reduce_sum3A_172 = arith.constant dense<0.000000e+00> : vector<16384xf32>
    %reduce_sum3A_173 = vector.multi_reduction <add>, %mul3A_171, %reduce_sum3A_172 [0] : vector<128x16384xf32> to vector<16384xf32>
    %broadcast_in_dim3A_174 = vector.shape_cast %reduce_sum3A_173 : vector<16384xf32> to vector<1x16384xf32>
    %add3A_175 = vector.broadcast %get3A_16 : f32 to vector<1x16384xf32>
    %add3A_176 = arith.addf %broadcast_in_dim3A_174, %add3A_175 : vector<1x16384xf32>
    %mul3A_177 = arith.mulf %broadcast_in_dim3A, %add3A_176 : vector<1x16384xf32>
    %squeeze3A_178 = vector.shape_cast %mul3A_177 : vector<1x16384xf32> to vector<16384xf32>
    %swap3A_179 = arith.constant 0 : index
    %swap3A_180 = vector.load %arg13[%swap3A_179] : memref<16384xf32, #tpu.memory_space<vmem>>, vector<16384xf32>
    tpu.vector_store %arg13[%swap3A_179], %squeeze3A_178 {strides = array<i32>} : memref<16384xf32, #tpu.memory_space<vmem>>, vector<16384xf32>,
    %get3A_181 = arith.constant 0 : index
    %get3A_182 = arith.constant 6 : index
    %get3A_183 = vector.load %arg3[%get3A_181, %get3A_182] : memref<128x9xf32, #tpu.memory_space<vmem>>, vector<128x1xf32>
    %add3A_184 = vector.broadcast %get3A_183 : vector<128x1xf32> to vector<128x16384xf32>
    %add3A_185 = arith.addf %mul3A_18, %add3A_184 : vector<128x16384xf32>
    %mul3A_186 = arith.constant 1.000000e-01 : f32
    %mul3A_187 = vector.broadcast %mul3A_186 : f32 to vector<128x16384xf32>
    %mul3A_188 = arith.mulf %mul3A_187, %add3A_185 : vector<128x16384xf32>
    %max3A_189 = arith.maximumf %add3A_185, %mul3A_188 : vector<128x16384xf32>
    %dot_general3A_190 = arith.constant dense<0.000000e+00> : vector<128x16384xf32>
    %dot_general3A_191 = tpu.matmul %get3A_6, %max3A_189, %dot_general3A_190 {dimension_numbers = #tpu.dot_dimension_numbers<[1], [0], [0], [1], [0, 0, 1, 1], [], []>, transpose_lhs_hint = false} : vector<128x128xf32>, vector<128x16384xf32>, vector<128x16384xf32> -> vector<128x16384xf32>
    %add3A_192 = vector.broadcast %get3A_9 : vector<128x1xf32> to vector<128x16384xf32>
    %add3A_193 = arith.addf %dot_general3A_191, %add3A_192 : vector<128x16384xf32>
    %mul3A_194 = arith.constant 1.000000e-01 : f32
    %mul3A_195 = vector.broadcast %mul3A_194 : f32 to vector<128x16384xf32>
    %mul3A_196 = arith.mulf %mul3A_195, %add3A_193 : vector<128x16384xf32>
    %max3A_197 = arith.maximumf %add3A_193, %mul3A_196 : vector<128x16384xf32>
    %mul3A_198 = vector.broadcast %get3A_12 : vector<128x1xf32> to vector<128x16384xf32>
    %mul3A_199 = arith.mulf %max3A_197, %mul3A_198 : vector<128x16384xf32>
    %reduce_sum3A_200 = arith.constant dense<0.000000e+00> : vector<16384xf32>
    %reduce_sum3A_201 = vector.multi_reduction <add>, %mul3A_199, %reduce_sum3A_200 [0] : vector<128x16384xf32> to vector<16384xf32>
    %broadcast_in_dim3A_202 = vector.shape_cast %reduce_sum3A_201 : vector<16384xf32> to vector<1x16384xf32>
    %add3A_203 = vector.broadcast %get3A_16 : f32 to vector<1x16384xf32>
    %add3A_204 = arith.addf %broadcast_in_dim3A_202, %add3A_203 : vector<1x16384xf32>
    %mul3A_205 = arith.mulf %broadcast_in_dim3A, %add3A_204 : vector<1x16384xf32>
    %squeeze3A_206 = vector.shape_cast %mul3A_205 : vector<1x16384xf32> to vector<16384xf32>
    %swap3A_207 = arith.constant 0 : index
    %swap3A_208 = vector.load %arg14[%swap3A_207] : memref<16384xf32, #tpu.memory_space<vmem>>, vector<16384xf32>
    tpu.vector_store %arg14[%swap3A_207], %squeeze3A_206 {strides = array<i32>} : memref<16384xf32, #tpu.memory_space<vmem>>, vector<16384xf32>,
    %get3A_209 = arith.constant 0 : index
    %get3A_210 = arith.constant 7 : index
    %get3A_211 = vector.load %arg3[%get3A_209, %get3A_210] : memref<128x9xf32, #tpu.memory_space<vmem>>, vector<128x1xf32>
    %add3A_212 = vector.broadcast %get3A_211 : vector<128x1xf32> to vector<128x16384xf32>
    %add3A_213 = arith.addf %mul3A_18, %add3A_212 : vector<128x16384xf32>
    %mul3A_214 = arith.constant 1.000000e-01 : f32
    %mul3A_215 = vector.broadcast %mul3A_214 : f32 to vector<128x16384xf32>
    %mul3A_216 = arith.mulf %mul3A_215, %add3A_213 : vector<128x16384xf32>
    %max3A_217 = arith.maximumf %add3A_213, %mul3A_216 : vector<128x16384xf32>
    %dot_general3A_218 = arith.constant dense<0.000000e+00> : vector<128x16384xf32>
    %dot_general3A_219 = tpu.matmul %get3A_6, %max3A_217, %dot_general3A_218 {dimension_numbers = #tpu.dot_dimension_numbers<[1], [0], [0], [1], [0, 0, 1, 1], [], []>, transpose_lhs_hint = false} : vector<128x128xf32>, vector<128x16384xf32>, vector<128x16384xf32> -> vector<128x16384xf32>
    %add3A_220 = vector.broadcast %get3A_9 : vector<128x1xf32> to vector<128x16384xf32>
    %add3A_221 = arith.addf %dot_general3A_219, %add3A_220 : vector<128x16384xf32>
    %mul3A_222 = arith.constant 1.000000e-01 : f32
    %mul3A_223 = vector.broadcast %mul3A_222 : f32 to vector<128x16384xf32>
    %mul3A_224 = arith.mulf %mul3A_223, %add3A_221 : vector<128x16384xf32>
    %max3A_225 = arith.maximumf %add3A_221, %mul3A_224 : vector<128x16384xf32>
    %mul3A_226 = vector.broadcast %get3A_12 : vector<128x1xf32> to vector<128x16384xf32>
    %mul3A_227 = arith.mulf %max3A_225, %mul3A_226 : vector<128x16384xf32>
    %reduce_sum3A_228 = arith.constant dense<0.000000e+00> : vector<16384xf32>
    %reduce_sum3A_229 = vector.multi_reduction <add>, %mul3A_227, %reduce_sum3A_228 [0] : vector<128x16384xf32> to vector<16384xf32>
    %broadcast_in_dim3A_230 = vector.shape_cast %reduce_sum3A_229 : vector<16384xf32> to vector<1x16384xf32>
    %add3A_231 = vector.broadcast %get3A_16 : f32 to vector<1x16384xf32>
    %add3A_232 = arith.addf %broadcast_in_dim3A_230, %add3A_231 : vector<1x16384xf32>
    %mul3A_233 = arith.mulf %broadcast_in_dim3A, %add3A_232 : vector<1x16384xf32>
    %squeeze3A_234 = vector.shape_cast %mul3A_233 : vector<1x16384xf32> to vector<16384xf32>
    %swap3A_235 = arith.constant 0 : index
    %swap3A_236 = vector.load %arg15[%swap3A_235] : memref<16384xf32, #tpu.memory_space<vmem>>, vector<16384xf32>
    tpu.vector_store %arg15[%swap3A_235], %squeeze3A_234 {strides = array<i32>} : memref<16384xf32, #tpu.memory_space<vmem>>, vector<16384xf32>,
    %get3A_237 = arith.constant 0 : index
    %get3A_238 = arith.constant 8 : index
    %get3A_239 = vector.load %arg3[%get3A_237, %get3A_238] : memref<128x9xf32, #tpu.memory_space<vmem>>, vector<128x1xf32>
    %add3A_240 = vector.broadcast %get3A_239 : vector<128x1xf32> to vector<128x16384xf32>
    %add3A_241 = arith.addf %mul3A_18, %add3A_240 : vector<128x16384xf32>
    %mul3A_242 = arith.constant 1.000000e-01 : f32
    %mul3A_243 = vector.broadcast %mul3A_242 : f32 to vector<128x16384xf32>
    %mul3A_244 = arith.mulf %mul3A_243, %add3A_241 : vector<128x16384xf32>
    %max3A_245 = arith.maximumf %add3A_241, %mul3A_244 : vector<128x16384xf32>
    %dot_general3A_246 = arith.constant dense<0.000000e+00> : vector<128x16384xf32>
    %dot_general3A_247 = tpu.matmul %get3A_6, %max3A_245, %dot_general3A_246 {dimension_numbers = #tpu.dot_dimension_numbers<[1], [0], [0], [1], [0, 0, 1, 1], [], []>, transpose_lhs_hint = false} : vector<128x128xf32>, vector<128x16384xf32>, vector<128x16384xf32> -> vector<128x16384xf32>
    %add3A_248 = vector.broadcast %get3A_9 : vector<128x1xf32> to vector<128x16384xf32>
    %add3A_249 = arith.addf %dot_general3A_247, %add3A_248 : vector<128x16384xf32>
    %mul3A_250 = arith.constant 1.000000e-01 : f32
    %mul3A_251 = vector.broadcast %mul3A_250 : f32 to vector<128x16384xf32>
    %mul3A_252 = arith.mulf %mul3A_251, %add3A_249 : vector<128x16384xf32>
    %max3A_253 = arith.maximumf %add3A_249, %mul3A_252 : vector<128x16384xf32>
    %mul3A_254 = vector.broadcast %get3A_12 : vector<128x1xf32> to vector<128x16384xf32>
    %mul3A_255 = arith.mulf %max3A_253, %mul3A_254 : vector<128x16384xf32>
    %reduce_sum3A_256 = arith.constant dense<0.000000e+00> : vector<16384xf32>
    %reduce_sum3A_257 = vector.multi_reduction <add>, %mul3A_255, %reduce_sum3A_256 [0] : vector<128x16384xf32> to vector<16384xf32>
    %broadcast_in_dim3A_258 = vector.shape_cast %reduce_sum3A_257 : vector<16384xf32> to vector<1x16384xf32>
    %add3A_259 = vector.broadcast %get3A_16 : f32 to vector<1x16384xf32>
    %add3A_260 = arith.addf %broadcast_in_dim3A_258, %add3A_259 : vector<1x16384xf32>
    %mul3A_261 = arith.mulf %broadcast_in_dim3A, %add3A_260 : vector<1x16384xf32>
    %squeeze3A_262 = vector.shape_cast %mul3A_261 : vector<1x16384xf32> to vector<16384xf32>
    %swap3A_263 = arith.constant 0 : index
    %swap3A_264 = vector.load %arg16[%swap3A_263] : memref<16384xf32, #tpu.memory_space<vmem>>, vector<16384xf32>
    tpu.vector_store %arg16[%swap3A_263], %squeeze3A_262 {strides = array<i32>} : memref<16384xf32, #tpu.memory_space<vmem>>, vector<16384xf32>,
    return
  }
  func.func @transform_0(%arg0: i32) -> i32 {
    %c0_i32 = arith.constant 0 : i32
    return %arg0 : i32
  }
  func.func @transform_1(%arg0: i32) -> (i32, i32) {
    %c0_i32 = arith.constant 0 : i32
    %c0_i32_0 = arith.constant 0 : i32
    %c0_i32_1 = arith.constant 0 : i32
    return %c0_i32, %c0_i32_0 : i32, i32
  }
  func.func @transform_2(%arg0: i32) -> (i32, i32) {
    %c0_i32 = arith.constant 0 : i32
    %c0_i32_0 = arith.constant 0 : i32
    %c0_i32_1 = arith.constant 0 : i32
    return %c0_i32, %c0_i32_0 : i32, i32
  }
  func.func @transform_3(%arg0: i32) -> (i32, i32) {
    %c0_i32 = arith.constant 0 : i32
    %c0_i32_0 = arith.constant 0 : i32
    %c0_i32_1 = arith.constant 0 : i32
    return %c0_i32, %c0_i32_0 : i32, i32
  }
  func.func @transform_4(%arg0: i32) -> (i32, i32) {
    %c0_i32 = arith.constant 0 : i32
    %c0_i32_0 = arith.constant 0 : i32
    %c0_i32_1 = arith.constant 0 : i32
    return %c0_i32, %c0_i32_0 : i32, i32
  }
  func.func @transform_5(%arg0: i32) -> (i32, i32) {
    %c0_i32 = arith.constant 0 : i32
    %c0_i32_0 = arith.constant 0 : i32
    %c0_i32_1 = arith.constant 0 : i32
    return %c0_i32, %c0_i32_0 : i32, i32
  }
  func.func @transform_6(%arg0: i32) -> (i32, i32) {
    %c0_i32 = arith.constant 0 : i32
    %c0_i32_0 = arith.constant 0 : i32
    %c0_i32_1 = arith.constant 0 : i32
    return %c0_i32, %c0_i32_0 : i32, i32
  }
  func.func @transform_7(%arg0: i32) -> i32 {
    %c0_i32 = arith.constant 0 : i32
    return %arg0 : i32
  }
  func.func @transform_8(%arg0: i32) -> i32 {
    %c0_i32 = arith.constant 0 : i32
    return %arg0 : i32
  }
  func.func @transform_9(%arg0: i32) -> i32 {
    %c0_i32 = arith.constant 0 : i32
    return %arg0 : i32
  }
  func.func @transform_10(%arg0: i32) -> i32 {
    %c0_i32 = arith.constant 0 : i32
    return %arg0 : i32
  }
  func.func @transform_11(%arg0: i32) -> i32 {
    %c0_i32 = arith.constant 0 : i32
    return %arg0 : i32
  }
  func.func @transform_12(%arg0: i32) -> i32 {
    %c0_i32 = arith.constant 0 : i32
    return %arg0 : i32
  }
  func.func @transform_13(%arg0: i32) -> i32 {
    %c0_i32 = arith.constant 0 : i32
    return %arg0 : i32
  }
  func.func @transform_14(%arg0: i32) -> i32 {
    %c0_i32 = arith.constant 0 : i32
    return %arg0 : i32
  }
  func.func @transform_15(%arg0: i32) -> i32 {
    %c0_i32 = arith.constant 0 : i32
    return %arg0 : i32
  }
}

</mosaic_0001>

<sc_bundles>
// kernel: kernel.4.cloned.1.call-start
scs
__scs_entry_jumppad:
0x0: {  	(pc) =	sbr.rel $0x88, $3  }
0x1: {  	(tag) =	ssettag $0x0;
	lr =	simm.s32 $0x1  }
0x2: {  	[smem:$0x3F9A] =	sst lr;
	_ =	strace $0xD0000000  }
0x3: {  	_ = 	snop  }
0x4: {  	_ = 	snop  }
0x5: {  	_ = 	snop  }
0x6: {  	_ = 	snop  }
0x7: {  	_ = 	snop  }
__scs_overlays_trampoline_lowered:
0x8: {  	[smem:$0x3FA9] =	sst s0  }
0x9: {  	[smem:$0x3FAA] =	sst s1  }
0xa: {  	[smem:$0x3FAB] =	sst s2  }
0xb: {  	[smem:$0x3FAC] =	sst s3  }
0xc: {  	[smem:$0x3FAD] =	sst s4  }
0xd: {  	[smem:$0x3FAE] =	sst s5  }
0xe: {  	[smem:$0x3FAF] =	sst s6  }
0xf: {  	[smem:$0x3FB0] =	sst s7  }
0x10: {  	[smem:$0x3FB1] =	sst s8  }
0x11: {  	[smem:$0x3FB2] =	sst s9;
	s0 =	simm.s32 @!p0 $0x0  }
0x12: {  	s1 =	sld [smem:$0x3F98];
	s0 =	simm.s32 @p0 $0x1  }
0x13: {  	[smem:$0x3FB3] =	sst s0;
	s0 =	simm.s32 @!p1 $0x0  }
0x14: {  	s2 =	sld [smem:$0x3F97];
	s0 =	simm.s32 @p1 $0x1  }
0x15: {  	[smem:$0x3FB4] =	sst s0;
	s0 =	simm.s32 @!p2 $0x0  }
0x16: {  	s3 =	sld [smem:$0x3FDB];
	s0 =	simm.s32 @p2 $0x1  }
0x17: {  	s4 =	simm.s32 $0x1BF5;
	[smem:$0x3FB6] =	sst s0  }
0x18: {  	s0 =	sld [smem:$0x3F99];
	_ =	swait.ge [sflag:s4], $0x0  }
0x19: {  	s7 =	sld [smem:$0x3F9A]  }
0x1a: {  	s8 =	sadd.s32 $0xFFFFE003, lr  }
0x1b: {  	s9 =	sadd.s32 $0xFFFFFEF7, lr;
	s5 =	simm.s32 $0xFFFFFFFF;
	p2 =	slt.u32 s8, $0xFFFFF086  }
0x1c: {  	p1 =	slt.u32 s9, $0xF7A;
	s5 =	simm.s32 @!p2 $0x0  }
0x1d: {  	s5 =	simm.s32 @p1 $0x1;
	p0 =	seq.s32 s7, s2  }
0x1e: {  	s7 =	smul.u32 @!p0 $0xF7A, s2;
	p2 =	seq.s32 @!p0 s5, $0x0  }
0x1f: {  	s9 =	smul.u32 $0xF7A, s1;
	s8 =	simm.s32 @!p0 $0x1BF5;
	p2 =	por !p2, p0  }
0x20: {  	[sflag:s8] =	ssyncset.s32 @!p0 $0xFFFFF086;
	s6 =	sadd.s32 @!p0 s3, s7;
	s7 =	simm.s32 @!p0 $0x108  }
0x21: {  	s3 =	sadd.s32 s3, s9;
	s6 =	sadd.s32 @!p0 $0x88, s6;
	s7 =	simm.s32 @p2 $0x1082  }
0x22: {  	[simem:s7], [sflag:s8] =	dma.local @!p0 [hbm:s6], $0xF7A  }
0x23: {  	s9 =	sor.u32 $0xD0000000, s2;
	s6 =	simm.s32 $0x108;
	_ =	swait.ge @!p0 [sflag:s8], $0x0  }
0x24: {  	s3 =	sadd.s32 $0x88, s3;
	s6 =	simm.s32 @!p1 $0x1082;
	[sflag:s4] =	ssyncset.s32 $0xFFFFF086  }
0x25: {  	[simem:s6], [sflag:s4] =	dma.local [hbm:s3], $0xF7A  }
0x26: {  	[smem:$0x3F9A] =	sst s1;
	(tag) =	ssettag s2;
	_ =	strace s9  }
0x27: {  	s1 =	sld [smem:$0x3FAA]  }
0x28: {  	s2 =	sld [smem:$0x3FAB]  }
0x29: {  	s4 =	sld [smem:$0x3FAD]  }
0x2a: {  	p0 =	seq.s32 s5, $0x0;
	s5 =	sld [smem:$0x3FAE]  }
0x2b: {  	s6 =	sld [smem:$0x3FAF]  }
0x2c: {  	s7 =	sld [smem:$0x3FB0]  }
0x2d: {  	s3 =	simm.s32 $0x108;
	s8 =	sld [smem:$0x3FB1]  }
0x2e: {  	s3 =	simm.s32 @!p0 $0x1082;
	s9 =	sld [smem:$0x3FB2]  }
0x2f: {  	lr =	sadd.s32 s0, s3;
	s0 =	sld [smem:$0x3FA9]  }
0x30: {  	s3 =	sld [smem:$0x3FAC]  }
0x31: {  	[smem:$0x3FB5] =	sst s10  }
0x32: {  	s10 =	sld [smem:$0x3FB3];
	_ =	sdelay $0x3  }
0x33: {  	p0 =	seq.s32 s10, $0x1;
	s10 =	sld [smem:$0x3FB5];
	_ =	sdelay $0x3  }
0x34: {  	[smem:$0x3FB5] =	sst s10  }
0x35: {  	s10 =	sld [smem:$0x3FB4];
	_ =	sdelay $0x3  }
0x36: {  	p1 =	seq.s32 s10, $0x1;
	s10 =	sld [smem:$0x3FB5];
	_ =	sdelay $0x3  }
0x37: {  	[smem:$0x3FB5] =	sst s10  }
0x38: {  	s10 =	sld [smem:$0x3FB6]  }
0x39: {  	_ = 	snop;
	(pc) =	sbr.ind lr, $3  }
0x3a: {  	_ = 	snop  }
0x3b: {  	_ = 	snop  }
0x3c: {  	p2 =	seq.s32 s10, $0x1;
	s10 =	sld [smem:$0x3FB5]  }
0x3d: {  	_ =	shalt  }
0x3e: {  	_ =	shalt  }
0x3f: {  	_ =	shalt  }
0x40: {  	_ =	shalt  }
0x41: {  	_ =	shalt  }
0x42: {  	_ =	shalt  }
0x43: {  	_ =	shalt  }
0x44: {  	_ =	shalt  }
0x45: {  	_ =	shalt  }
0x46: {  	_ =	shalt  }
0x47: {  	_ =	shalt  }
0x48: {  	_ =	shalt  }
0x49: {  	_ =	shalt  }
0x4a: {  	_ =	shalt  }
0x4b: {  	_ =	shalt  }
0x4c: {  	_ =	shalt  }
0x4d: {  	_ =	shalt  }
0x4e: {  	_ =	shalt  }
0x4f: {  	_ =	shalt  }
0x50: {  	_ =	shalt  }
0x51: {  	_ =	shalt  }
0x52: {  	_ =	shalt  }
0x53: {  	_ =	shalt  }
0x54: {  	_ =	shalt  }
0x55: {  	_ =	shalt  }
0x56: {  	_ =	shalt  }
0x57: {  	_ =	shalt  }
0x58: {  	_ =	shalt  }
0x59: {  	_ =	shalt  }
0x5a: {  	_ =	shalt  }
0x5b: {  	_ =	shalt  }
0x5c: {  	_ =	shalt  }
0x5d: {  	_ =	shalt  }
0x5e: {  	_ =	shalt  }
0x5f: {  	_ =	shalt  }
0x60: {  	_ =	shalt  }
0x61: {  	_ =	shalt  }
0x62: {  	_ =	shalt  }
0x63: {  	_ =	shalt  }
0x64: {  	_ =	shalt  }
0x65: {  	_ =	shalt  }
0x66: {  	_ =	shalt  }
0x67: {  	_ =	shalt  }
0x68: {  	_ =	shalt  }
0x69: {  	_ =	shalt  }
0x6a: {  	_ =	shalt  }
0x6b: {  	_ =	shalt  }
0x6c: {  	_ =	shalt  }
0x6d: {  	_ =	shalt  }
0x6e: {  	_ =	shalt  }
0x6f: {  	_ =	shalt  }
0x70: {  	_ =	shalt  }
0x71: {  	_ =	shalt  }
0x72: {  	_ =	shalt  }
0x73: {  	_ =	shalt  }
0x74: {  	_ =	shalt  }
0x75: {  	_ =	shalt  }
0x76: {  	_ =	shalt  }
0x77: {  	_ =	shalt  }
0x78: {  	_ =	shalt  }
0x79: {  	_ =	shalt  }
0x7a: {  	_ =	shalt  }
0x7b: {  	_ =	shalt  }
0x7c: {  	_ =	shalt  }
0x7d: {  	_ =	shalt  }
0x7e: {  	_ =	shalt  }
0x7f: {  	_ =	shalt  }
0x80: {  	_ =	shalt  }
0x81: {  	_ =	shalt  }
0x82: {  	_ =	shalt  }
0x83: {  	_ =	shalt  }
0x84: {  	_ =	shalt  }
0x85: {  	_ =	shalt  }
0x86: {  	_ =	shalt  }
0x87: {  	_ =	shalt  }
.Lfunc_end0:
.L_simem_size_0:
called_computation_lowered:
.L_overlay_start_0:
0x88: {  	s2 =	sld [smem:$0x3FD9]  }
0x89: {  	s3 =	sld [smem:$0x3FFE];
	_ =	sdelay $0x1  }
0x8a: {  	s1 =	srdreg.scid  }
0x8b: {  	s0 =	sand.u32 $0x1, s1  }
0x8c: {  	s17 =	sshll.u32 s0, $0xA;
	s2 =	sadd.s32 s3, s2  }
0x8d: {  	s2 =	sadd.s32 s2, s17  }
0x8e: {  	[smem:$0x3FC1] =	sst s2  }
0x8f: {  	_ = 	snop  }
0x90: {  	s2 =	sld [smem:$0x3FD0];
	(tm) =	ssettm $0x1  }
0x91: {  	s18 =	sld [smem:$0x3FFB];
	_ =	sdelay $0x3  }
0x92: {  	_ =	strace s18  }
0x93: {  	s3 =	sld [smem:$0x3FFC];
	_ =	sdelay $0x3  }
0x94: {  	_ =	strace s3  }
0x95: {  	s3 =	sld [smem:$0x3FFD];
	_ =	sdelay $0x3  }
0x96: {  	_ =	strace s3  }
0x97: {  	_ =	strace $0x8FFFFFFF  }
0x98: {  	s19 =	sld [smem:$0x3FDB];
	_ =	sdelay $0x1  }
0x99: {  	s4 =	simm.s32 $_scs_section_size  }
0x9a: {  	s5 =	simm.s32 $_size__tile_overlayer_lowered;
	s6 =	simm.s32 $_tile_overlayer_lowered  }
0x9b: {  	s22 =	simm.s32 $0x1BFF;
	s21 =	sshll.u32 s6, $0x1;
	s3 =	sadd.s32 s4, s19  }
0x9c: {  	s7 =	simm.s32 $0x0;
	s20 =	sshll.u32 s5, $0x1;
	s5 =	sadd.s32 s21, s3  }
0x9d: {  	[timem:s7], [sflag:s22] =	dma.local [hbm:s5], s20  }
0x9e: {  	_ =	swait.ge [sflag:s22], s20  }
0x9f: {  	s4 =	ssub.s32 $0x0, s20;
	[sflag:s22] =	ssyncset.done $0x0  }
0xa0: {  	[sflag:s22] =	ssyncadd.s32 s4;
	_ =	sdelay $0x1  }
0xa1: {  	s23 =	simm.s32 $0x1B8B  }
0xa2: {  	_ =	swait.ge [sflag:s23], $0x1  }
0xa3: {  	[sflag:s23] =	ssyncset.done $0x0  }
0xa4: {  	s25 =	simm.s32 $0x1B8E;
	s24 =	sld [smem:$0x3FFE];
	[sflag:s23] =	ssyncadd.s32 $0xFFFFFFFF  }
0xa5: {  	s26 =	simm.s32 $execute0_lowered;
	[smem:$0x3FD2] =	sst s25  }
0xa6: {  	s5 =	sshll.u32 s26, $0x1;
	_ =	strace $0x80000046;
	[dreg:$0x1] =	wrdreg $0xFFFFFFFF  }
0xa7: {  	s28 =	simm.s32 $_size_execute0_lowered;
	s3 =	sadd.s32 s3, s5;
	[dreg:$0x0] =	wrdreg $0x0  }
0xa8: {  	s5 =	sshll.u32 s28, $0x1;
	[dreg:$0x2] =	wrdreg s3  }
0xa9: {  	[dreg:$0x3] =	wrdreg s5  }
0xaa: {  	[dreg:$0x4] =	wrdreg $0xC0  }
0xab: {  	_ =	task [dreg:s7], $0x5FFFF  }
0xac: {  	[dreg:$0x1] =	wrdreg $0xFFFFFFFF  }
0xad: {  	[dreg:$0x0] =	wrdreg $0x60  }
0xae: {  	[dreg:$0x2] =	wrdreg s24  }
0xaf: {  	[dreg:$0x3] =	wrdreg s2  }
0xb0: {  	[dreg:$0x4] =	wrdreg $0x7D800  }
0xb1: {  	[dreg:$0x5] =	wrdreg $0x9  }
0xb2: {  	_ =	task.clear_ibuf [dreg:s7], $0x6FFFF;
	_ =	strace $0x90000046  }
0xb3: {  	s29 =	simm.s32 $0x9;
	_ =	strace $0x80000048  }
0xb4: {  	_ =	swait.ge [sflag:s29], $0x1  }
0xb5: {  	[sflag:s29] =	ssyncadd.s32 $0xFFFFFFFF  }
0xb6: {  	_ =	strace $0x90000048  }
0xb7: {  	_ =	sfence  }
0xb8: {  	s30 =	sld [smem:$0x0];
	_ =	sdelay $0x2  }
0xb9: {  	s31 =	sshll.u32 s1, $0xD;
	s1 =	sshrl.u32 s1, $0x2  }
0xba: {  	s3 =	sand.u32 $0x4000, s31;
	s1 =	sadd.s32 s1, s30  }
0xbb: {  	s0 =	sor.u32 s3, s0;
	s1 =	sshll.u32 s1, $0x11  }
0xbc: {  	s0 =	sor.u32 s1, s0  }
0xbd: {  	s0 =	sadd.s32 $0x8F2B, s0  }
0xbe: {  	[sflag:s0] =	ssyncadd.remote.s32 $0x1  }
0xbf: {  	_ =	sfence.sel $0xFFFF  }
0xc0: {  	[dreg:$0x0] =	wrdreg $0xFFFFFFFF;
	(pc) =	sbr.abs _section_cstart, $3  }
0xc1: {  	[dreg:$0x1] =	wrdreg $0xFFFFFFFF  }
0xc2: {  	_ =	task.clear_ibuf [dreg:s7], $0x2FFFF;
	_ =	strace $0x9FFFFFFF  }
0xc3: {  	(tm) =	ssettm $0x7FFFFFFF  }
tec
execute0_lowered:
.L_overlay_start_1:
0x0: {  	(tag) =	ssettag $0x1  }
0x1: {  	s0 =	rddreg [dreg:$0x0]  }
0x2: {  	s8 =	rddreg [dreg:$0x1]  }
0x3: {  	s1 =	rddreg [dreg:$0x2];
	s2 =	simm.s32 $0x0;
	s13 =	srdreg.scid  }
0x4: {  	s19 =	stileid.u32;
	s28 =	simm.s32 $0x0;
	[smem:$0x7FF] =	sst s2  }
0x5: {  	s3 =	sadd.s32 $0x31200, s0;
	s4 =	sadd.s32 $0x18A00, s0;
	s5 =	sadd.s32 $0x200, s0  }
0x6: {  	s6 =	sadd.s32 $0x7AA00, s0;
	s7 =	sadd.s32 $0x93200, s0;
	s9 =	sadd.s32 $0xABA00, s0  }
0x7: {  	s10 =	sadd.s32 $0xC4200, s0;
	s11 =	sadd.s32 $0xDCA00, s0;
	s12 =	sadd.s32 $0xF5200, s0  }
0x8: {  	s16 =	sand.u32 $0x1, s13;
	s18 =	smul.u32 $0x17BB0, s19;
	s13 =	sadd.s32 $0x10DA00, s0  }
0x9: {  	s15 =	sshrl.u32 s19, $0x3;
	s19 =	smul.u32 $0x61A8, s19;
	_ =	strace $0x80000047  }
0xa: {  	s14 =	sshll.u32 s16, $0x1;
	s20 =	ssub.s32 $0x2, s16;
	s25 =	smul.u32 $0x17BB00, s16  }
0xb: {  	s15 =	sor.u32 s15, s14;
	s14 =	sadd.s32 $0x49A00, s0;
	s29 =	sadd.s32 s18, s1  }
0xc: {  	s31 =	sshrl.u32 s20, $0x1;
	s23 =	sadd.s32 $0x1950, s29;
	[dreg:$0x4] =	wrdreg s29  }
0xd: {  	s21 =	smul.u32 $0xBDD80, s15;
	s24 =	sadd.s32 $0x32A0, s29;
	[dreg:$0x6] =	wrdreg s23  }
0xe: {  	s15 =	sadd.s32 $0x62200, s0;
	s30 =	sadd.s32 $0x4BF0, s29;
	[dreg:$0x7] =	wrdreg s24  }
0xf: {  	s0 =	ssub.s32 s20, s31;
	s31 =	sadd.s32 $0x6540, s29;
	[dreg:$0x8] =	wrdreg s30  }
0x10: {  	s17 =	smul.u32 $0x61A80, s16;
	s16 =	sadd.s32 $0x97E0, s29;
	[dreg:$0x9] =	wrdreg s31  }
0x11: {  	s22 =	sadd.s32 s18, s25;
	s18 =	sadd.s32 $0xB130, s29;
	[dreg:$0xb] =	wrdreg s16  }
0x12: {  	s17 =	sadd.s32 s19, s17;
	s19 =	sadd.s32 $0xCA80, s29;
	[dreg:$0xc] =	wrdreg s18  }
0x13: {  	s20 =	sadd.s32 $0xE3D0, s29;
	v1 =	vmov s25;
	s25 =	simm.s32 $0x1388;
	[dreg:$0xd] =	wrdreg s19  }
0x14: {  	s0 =	smax.u32 s0, $0x1;
	[dreg:$0xe] =	wrdreg s20;
	s23 =	sadd.s32 $0x11670, s29  }
0x15: {  	s24 =	sadd.s32 $0x12FC0, s29;
	s30 =	sadd.s32 $0x14910, s29;
	[dreg:$0x5] =	wrdreg s0  }
0x16: {  	s31 =	sadd.s32 $0x16260, s29;
	s19 =	simm.s32 $0x6400;
	[dreg:$0x10] =	wrdreg s23  }
0x17: {  	s20 =	simm.s32 $0x1;
	s26 =	scvt.s32.f32 s21;
	[dreg:$0x11] =	wrdreg s24  }
0x18: {  	s0 =	sshrl.u32 s22, $0x3;
	s21 =	sadd.s32 $0xFD20, s29;
	[dreg:$0x12] =	wrdreg s30  }
0x19: {  	[dreg:$0x13] =	wrdreg s31;
	s23 =	simm.s32 $0x2800;
	s24 =	simm.s32 $0x5000  }
0x1a: {  	s22 =	sadd.s32 s0, s8;
	s8 =	sadd.s32 $0x7E90, s29;
	[dreg:$0xf] =	wrdreg s21  }
0x1b: {  	v2 =	vimm.f32 $0.0e+00;
	s21 =	simm.s32 $0x1400;
	[dreg:$0xa] =	wrdreg s8;
	v0 =	vmov s26;
	s26 =	simm.s32 $0x3C00  }
.LBB2_1:
0x1c: {  	s0 =	simm.s32 $0x40;
	s8 =	simm.s32 $0x0  }
.LBB2_2:
0x1d: {  	p0 =	sne.s32 s0, $0x6500;
	[tilespmem:s8+$0x6400] =	vst v2;
	s8 =	smov.u32 s0;
	s0 =	sadd.s32 $0x40, s0  }
.Ltmp0:
0x1e: {  	(pc) =	sbr.rel @p0 .LBB2_2-.Ltmp0, $2  }
0x1f: {  	_ =	sdelay $0x2  }
0x20: {  	s8 =	sshra.s32 s8, $0x2  }
0x21: {  	[tilespmem:s8+$0x6400] =	vst v2  }
0x22: {  	[spmem:s29] =	stream.linear.scatter [tilespmem:s19], [sflag:$0x1], $0x1950, $0x38;
	[tilespmem:$0x1F930] =	vst v63  }
0x23: {  	_ =	swait.ge [sflag:s20], $0x1950  }
0x24: {  	[sflag:s20] =	ssyncset.done $0x0  }
0x25: {  	s0 =	rddreg [dreg:$0x6];
	[sflag:s20] =	ssyncadd.s32 $0xFFFFE6B0  }
0x26: {  	[spmem:s0] =	stream.linear.scatter [tilespmem:s19], [sflag:$0x1], $0x1950, $0x38;
	[tilespmem:$0x1F930] =	vst v63  }
0x27: {  	_ =	swait.ge [sflag:s20], $0x1950  }
0x28: {  	[sflag:s20] =	ssyncset.done $0x0  }
0x29: {  	s31 =	rddreg [dreg:$0x7];
	[sflag:s20] =	ssyncadd.s32 $0xFFFFE6B0  }
0x2a: {  	[spmem:s31] =	stream.linear.scatter [tilespmem:s19], [sflag:$0x1], $0x1950, $0x38;
	[tilespmem:$0x1F930] =	vst v63  }
0x2b: {  	_ =	swait.ge [sflag:s20], $0x1950  }
0x2c: {  	[sflag:s20] =	ssyncset.done $0x0  }
0x2d: {  	s8 =	rddreg [dreg:$0x8];
	[sflag:s20] =	ssyncadd.s32 $0xFFFFE6B0  }
0x2e: {  	[spmem:s8] =	stream.linear.scatter [tilespmem:s19], [sflag:$0x1], $0x1950, $0x38;
	[tilespmem:$0x1F930] =	vst v63  }
0x2f: {  	_ =	swait.ge [sflag:s20], $0x1950  }
0x30: {  	[sflag:s20] =	ssyncset.done $0x0  }
0x31: {  	s16 =	rddreg [dreg:$0x9];
	[sflag:s20] =	ssyncadd.s32 $0xFFFFE6B0  }
0x32: {  	[spmem:s16] =	stream.linear.scatter [tilespmem:s19], [sflag:$0x1], $0x1950, $0x38;
	[tilespmem:$0x1F930] =	vst v63  }
0x33: {  	_ =	swait.ge [sflag:s20], $0x1950  }
0x34: {  	[sflag:s20] =	ssyncset.done $0x0  }
0x35: {  	s18 =	rddreg [dreg:$0xa];
	[sflag:s20] =	ssyncadd.s32 $0xFFFFE6B0  }
0x36: {  	[spmem:s18] =	stream.linear.scatter [tilespmem:s19], [sflag:$0x1], $0x1950, $0x38;
	[tilespmem:$0x1F930] =	vst v63  }
0x37: {  	_ =	swait.ge [sflag:s20], $0x1950  }
0x38: {  	[sflag:s20] =	ssyncset.done $0x0  }
0x39: {  	s31 =	rddreg [dreg:$0xb];
	[sflag:s20] =	ssyncadd.s32 $0xFFFFE6B0  }
0x3a: {  	[spmem:s31] =	stream.linear.scatter [tilespmem:s19], [sflag:$0x1], $0x1950, $0x38;
	[tilespmem:$0x1F930] =	vst v63  }
0x3b: {  	_ =	swait.ge [sflag:s20], $0x1950  }
0x3c: {  	[sflag:s20] =	ssyncset.done $0x0  }
0x3d: {  	s8 =	rddreg [dreg:$0xc];
	[sflag:s20] =	ssyncadd.s32 $0xFFFFE6B0  }
0x3e: {  	[spmem:s8] =	stream.linear.scatter [tilespmem:s19], [sflag:$0x1], $0x1950, $0x38;
	[tilespmem:$0x1F930] =	vst v63  }
0x3f: {  	_ =	swait.ge [sflag:s20], $0x1950  }
0x40: {  	[sflag:s20] =	ssyncset.done $0x0  }
0x41: {  	s16 =	rddreg [dreg:$0xd];
	[sflag:s20] =	ssyncadd.s32 $0xFFFFE6B0  }
0x42: {  	[spmem:s16] =	stream.linear.scatter [tilespmem:s19], [sflag:$0x1], $0x1950, $0x38;
	[tilespmem:$0x1F930] =	vst v63  }
0x43: {  	_ =	swait.ge [sflag:s20], $0x1950  }
0x44: {  	[sflag:s20] =	ssyncset.done $0x0  }
0x45: {  	s18 =	rddreg [dreg:$0xe];
	[sflag:s20] =	ssyncadd.s32 $0xFFFFE6B0  }
0x46: {  	[spmem:s18] =	stream.linear.scatter [tilespmem:s19], [sflag:$0x1], $0x1950, $0x38;
	[tilespmem:$0x1F930] =	vst v63  }
0x47: {  	_ =	swait.ge [sflag:s20], $0x1950  }
0x48: {  	[sflag:s20] =	ssyncset.done $0x0  }
0x49: {  	s31 =	rddreg [dreg:$0xf];
	[sflag:s20] =	ssyncadd.s32 $0xFFFFE6B0  }
0x4a: {  	[spmem:s31] =	stream.linear.scatter [tilespmem:s19], [sflag:$0x1], $0x1950, $0x38;
	[tilespmem:$0x1F930] =	vst v63  }
0x4b: {  	_ =	swait.ge [sflag:s20], $0x1950  }
0x4c: {  	[sflag:s20] =	ssyncset.done $0x0  }
0x4d: {  	s8 =	rddreg [dreg:$0x10];
	[sflag:s20] =	ssyncadd.s32 $0xFFFFE6B0  }
0x4e: {  	[spmem:s8] =	stream.linear.scatter [tilespmem:s19], [sflag:$0x1], $0x1950, $0x38;
	[tilespmem:$0x1F930] =	vst v63  }
0x4f: {  	_ =	swait.ge [sflag:s20], $0x1950  }
0x50: {  	[sflag:s20] =	ssyncset.done $0x0  }
0x51: {  	s16 =	rddreg [dreg:$0x11];
	[sflag:s20] =	ssyncadd.s32 $0xFFFFE6B0  }
0x52: {  	[spmem:s16] =	stream.linear.scatter [tilespmem:s19], [sflag:$0x1], $0x1950, $0x38;
	[tilespmem:$0x1F930] =	vst v63  }
0x53: {  	_ =	swait.ge [sflag:s20], $0x1950  }
0x54: {  	[sflag:s20] =	ssyncset.done $0x0  }
0x55: {  	s18 =	rddreg [dreg:$0x12];
	[sflag:s20] =	ssyncadd.s32 $0xFFFFE6B0  }
0x56: {  	[spmem:s18] =	stream.linear.scatter [tilespmem:s19], [sflag:$0x1], $0x1950, $0x38;
	[tilespmem:$0x1F930] =	vst v63  }
0x57: {  	_ =	swait.ge [sflag:s20], $0x1950  }
0x58: {  	[sflag:s20] =	ssyncset.done $0x0  }
0x59: {  	s31 =	rddreg [dreg:$0x13];
	[sflag:s20] =	ssyncadd.s32 $0xFFFFE6B0  }
0x5a: {  	[spmem:s31] =	stream.linear.scatter [tilespmem:s19], [sflag:$0x1], $0x1950, $0x38;
	[tilespmem:$0x1F930] =	vst v63  }
0x5b: {  	_ =	swait.ge [sflag:s20], $0x1950  }
0x5c: {  	[sflag:s20] =	ssyncset.done $0x0  }
0x5d: {  	[sflag:s20] =	ssyncadd.s32 $0xFFFFE6B0  }
0x5e: {  	s30 =	simm.s32 $0x0;
	s29 =	simm.s32 $0x0;
	[bflag:$0x0] =	sbarrier.arrive $0xFFFF  }
.LBB2_4:
0x5f: {  	s0 =	smul.u32 $0x1388, s30;
	_ =	sdelay $0x1  }
0x60: {  	s0 =	sadd.s32 s0, s17  }
0x61: {  	s31 =	sshrl.u32 s0, $0x3  }
0x62: {  	s0 =	sadd.s32 s3, s31  }
0x63: {  	[tilespmem:s29], [sflag:$0x1] =	stream.linear.gather [hbm4b:s0+s29], $0x1388, $0x38;
	[tilespmem:$0x1F930] =	vst v63  }
0x64: {  	_ =	swait.ge [sflag:s20], $0x1388  }
0x65: {  	[sflag:s20] =	ssyncset.done $0x0  }
0x66: {  	s16 =	sadd.s32 s4, s31;
	[sflag:s20] =	ssyncadd.s32 $0xFFFFEC78  }
0x67: {  	[tilespmem:s21], [sflag:$0x1] =	stream.linear.gather [hbm4b:s16+s29], $0x1388, $0x38;
	[tilespmem:$0x1F930] =	vst v63  }
0x68: {  	_ =	swait.ge [sflag:s20], $0x1388  }
0x69: {  	[sflag:s20] =	ssyncset.done $0x0  }
0x6a: {  	s18 =	sadd.s32 s5, s31;
	[sflag:s20] =	ssyncadd.s32 $0xFFFFEC78  }
0x6b: {  	[tilespmem:s23], [sflag:$0x1] =	stream.linear.gather [hbm4b:s18+s29], $0x1388, $0x38;
	[tilespmem:$0x1F930] =	vst v63  }
0x6c: {  	_ =	swait.ge [sflag:s20], $0x1388  }
0x6d: {  	[sflag:s20] =	ssyncset.done $0x0  }
0x6e: {  	[sflag:s20] =	ssyncadd.s32 $0xFFFFEC78  }
0x6f: {  	v3 =	vld [tilespmem:$0x3B78];
	_ =	sdelay $0x1  }
0x70: {  	v4 =	vld [tilespmem:$0x2778];
	_ =	sdelay $0x1  }
0x71: {  	v5 =	vld [tilespmem:$0x1378]  }
0x72: {  	v3 =	vadd.f32 $1.000000000e+00, v3;
	_ =	sdelay $0x1  }
0x73: {  	v4 =	vmul.f32 $2.400000000e+02, v4;
	v3 =	vmul.f32 $5.000000000e-01, v3;
	_ =	sdelay $0x1  }
0x74: {  	v4 =	vadd.f32 v4, v5;
	v3 =	vmul.f32 $3.888000000e+05, v3;
	_ =	sdelay $0x1  }
0x75: {  	v3 =	vadd.f32 v3, v4;
	_ =	sdelay $0x1  }
0x76: {  	v3 =	vadd.f32 v3, v0;
	_ =	sdelay $0x1  }
0x77: {  	s0 =	simm.s32 $0x0;
	[tilespmem:$0x6400] =	vst v3  }
0x78: {  	v3 =	vld [tilespmem:s0+$0x2800];
	_ =	sdelay $0x1  }
0x79: {  	v4 =	vld [tilespmem:s0+$0x1400];
	_ =	sdelay $0x1  }
0x7a: {  	v5 =	vld [tilespmem:s0+$0x0]  }
0x7b: {  	v3 =	vadd.f32 $1.000000000e+00, v3;
	_ =	sdelay $0x1  }
0x7c: {  	v4 =	vmul.f32 $2.400000000e+02, v4;
	v3 =	vmul.f32 $5.000000000e-01, v3;
	_ =	sdelay $0x1  }
0x7d: {  	v4 =	vadd.f32 v4, v5;
	v3 =	vmul.f32 $3.888000000e+05, v3;
	_ =	sdelay $0x1  }
0x7e: {  	s8 =	simm.s32 $0x80;
	s18 =	simm.s32 $0x10;
	v3 =	vadd.f32 v3, v4  }
.LBB2_5:
0x7f: {  	p0 =	sne.s32 s8, $0x4DC0;
	v4 =	vld [tilespmem:s18+$0x2800]  }
0x80: {  	v3 =	vadd.f32 v3, v0  }
0x81: {  	v5 =	vld [tilespmem:s18+$0x1400]  }
0x82: {  	[tilespmem:s0+$0x0] =	vst v3;
	s0 =	smov.u32 s18  }
0x83: {  	v3 =	vld [tilespmem:s0+$0x0]  }
0x84: {  	v4 =	vadd.f32 $1.000000000e+00, v4;
	_ =	sdelay $0x1  }
.Ltmp1:
0x85: {  	v4 =	vmul.f32 $5.000000000e-01, v4;
	v5 =	vmul.f32 $2.400000000e+02, v5;
	(pc) =	sbr.rel @p0 .LBB2_5-.Ltmp1, $3  }
0x86: {  	_ = 	snop  }
0x87: {  	v3 =	vadd.f32 v5, v3;
	v4 =	vmul.f32 $3.888000000e+05, v4;
	_ =	sdelay $0x1  }
0x88: {  	s18 =	sshra.s32 s8, $0x2;
	s8 =	sadd.s32 $0x40, s8;
	v3 =	vadd.f32 v4, v3  }
0x89: {  	v4 =	vld [tilespmem:s18+$0x2800]  }
0x8a: {  	v3 =	vadd.f32 v3, v0  }
0x8b: {  	v5 =	vld [tilespmem:s18+$0x1400]  }
0x8c: {  	[tilespmem:s0+$0x0] =	vst v3  }
0x8d: {  	v3 =	vld [tilespmem:s18+$0x0]  }
0x8e: {  	v4 =	vadd.f32 $1.000000000e+00, v4;
	_ =	sdelay $0x1  }
0x8f: {  	v5 =	vmul.f32 $2.400000000e+02, v5;
	v4 =	vmul.f32 $5.000000000e-01, v4;
	_ =	sdelay $0x1  }
0x90: {  	v3 =	vadd.f32 v5, v3;
	v4 =	vmul.f32 $3.888000000e+05, v4;
	_ =	sdelay $0x1  }
0x91: {  	v3 =	vadd.f32 v4, v3;
	_ =	sdelay $0x1  }
0x92: {  	v3 =	vadd.f32 v3, v0;
	_ =	sdelay $0x1  }
0x93: {  	s0 =	simm.s32 $0x0;
	[tilespmem:s18+$0x0] =	vst v3  }
0x94: {  	v3 =	vld [tilespmem:s0+$0x0];
	_ =	sdelay $0x4  }
0x95: {  	v3 =	vadd.f32 $0.0e+00, v3;
	_ =	sdelay $0x1  }
0x96: {  	v3 =	vmax.f32 v3, $0.0e+00  }
0x97: {  	s8 =	simm.s32 $0x10;
	v3 =	vmin.f32 v3, $3.110399000e+06  }
0x98: {  	v4 =	vtrunc.f32 v3;
	v3 =	vld [tilespmem:s8+$0x0];
	_ =	sdelay $0x3  }
0x99: {  	s18 =	simm.s32 $0x80;
	v4 =	vcvt.f32.s32 v4  }
.LBB2_7:
0x9a: {  	s16 =	sshra.s32 s18, $0x2;
	p0 =	sne.s32 s18, $0x4DC0;
	s18 =	sadd.s32 $0x40, s18;
	v5 =	vadd.f32 $0.0e+00, v3  }
.Ltmp2:
0x9b: {  	v3 =	vld [tilespmem:s16+$0x0];
	v4 =	vsub.s32 v4, v1;
	(pc) =	sbr.rel @p0 .LBB2_7-.Ltmp2, $4  }
0x9c: {  	v5 =	vmax.f32 v5, $0.0e+00;
	[tilespmem:s0+$0x3C00] =	vst v4;
	s0 =	smov.u32 s8;
	s8 =	smov.u32 s16  }
0x9d: {  	v4 =	vmin.f32 v5, $3.110399000e+06  }
0x9e: {  	v4 =	vtrunc.f32 v4  }
0x9f: {  	v4 =	vcvt.f32.s32 v4  }
0xa0: {  	v3 =	vadd.f32 $0.0e+00, v3;
	_ =	sdelay $0x1  }
0xa1: {  	v3 =	vmax.f32 v3, $0.0e+00  }
0xa2: {  	v3 =	vmin.f32 v3, $3.110399000e+06  }
0xa3: {  	v3 =	vtrunc.f32 v3  }
0xa4: {  	v3 =	vcvt.f32.s32 v3  }
0xa5: {  	v4 =	vsub.s32 v4, v1  }
0xa6: {  	[tilespmem:s0+$0x3C00] =	vst v4;
	v3 =	vsub.s32 v3, v1  }
0xa7: {  	[tilespmem:s8+$0x3C00] =	vst v3  }
0xa8: {  	v3 =	vld [tilespmem:$0x6400];
	_ =	sdelay $0x4  }
0xa9: {  	v3 =	vadd.f32 $0.0e+00, v3;
	_ =	sdelay $0x1  }
0xaa: {  	v3 =	vmax.f32 v3, $0.0e+00  }
0xab: {  	v3 =	vmin.f32 v3, $3.110399000e+06  }
0xac: {  	v3 =	vtrunc.f32 v3  }
0xad: {  	v3 =	vcvt.f32.s32 v3;
	_ =	sdelay $0x1  }
0xae: {  	v3 =	vsub.s32 v3, v1  }
0xaf: {  	s16 =	sadd.s32 s6, s31;
	s18 =	simm.s32 $0x0;
	[tilespmem:$0x4F78] =	vst v3  }
0xb0: {  	[tilespmem:s24], [sflag:$0x1] =	stream.linear.gather [hbm4b:s16+s18], $0x1388, $0x38;
	[tilespmem:$0x1F930] =	vst v63  }
0xb1: {  	_ =	swait.ge [sflag:s20], $0x1388  }
0xb2: {  	[sflag:s20] =	ssyncset.done $0x0  }
0xb3: {  	[sflag:s20] =	ssyncadd.s32 $0xFFFFEC78  }
0xb4: {  	[spmem:s1] =	stream.indirect.scatter.add.f32 [tilespmem:s24], [sflag:$0x1], $0x1, s26, s25, $0xb8;
	[tilespmem:$0x1F930] =	vst v63  }
0xb5: {  	_ =	swait.ge [sflag:s20], $0x1388  }
0xb6: {  	[sflag:s20] =	ssyncset.done $0x0  }
0xb7: {  	s0 =	simm.s32 $0x0;
	[sflag:s20] =	ssyncadd.s32 $0xFFFFEC78  }
0xb8: {  	v3 =	vld [tilespmem:s0+$0x0];
	_ =	sdelay $0x4  }
0xb9: {  	v3 =	vadd.f32 $4.320000000e+04, v3;
	_ =	sdelay $0x1  }
0xba: {  	v3 =	vmax.f32 v3, $0.0e+00  }
0xbb: {  	s8 =	simm.s32 $0x10;
	v3 =	vmin.f32 v3, $3.110399000e+06  }
0xbc: {  	v4 =	vtrunc.f32 v3;
	v3 =	vld [tilespmem:s8+$0x0];
	_ =	sdelay $0x3  }
0xbd: {  	s18 =	simm.s32 $0x80;
	v4 =	vcvt.f32.s32 v4  }
.LBB2_9:
0xbe: {  	s16 =	sshra.s32 s18, $0x2;
	p0 =	sne.s32 s18, $0x4DC0;
	s18 =	sadd.s32 $0x40, s18;
	v5 =	vadd.f32 $4.320000000e+04, v3  }
.Ltmp3:
0xbf: {  	v3 =	vld [tilespmem:s16+$0x0];
	v4 =	vsub.s32 v4, v1;
	(pc) =	sbr.rel @p0 .LBB2_9-.Ltmp3, $4  }
0xc0: {  	v5 =	vmax.f32 v5, $0.0e+00;
	[tilespmem:s0+$0x3C00] =	vst v4;
	s0 =	smov.u32 s8;
	s8 =	smov.u32 s16  }
0xc1: {  	v4 =	vmin.f32 v5, $3.110399000e+06  }
0xc2: {  	v4 =	vtrunc.f32 v4  }
0xc3: {  	v4 =	vcvt.f32.s32 v4  }
0xc4: {  	v3 =	vadd.f32 $4.320000000e+04, v3;
	_ =	sdelay $0x1  }
0xc5: {  	v3 =	vmax.f32 v3, $0.0e+00  }
0xc6: {  	v3 =	vmin.f32 v3, $3.110399000e+06  }
0xc7: {  	v3 =	vtrunc.f32 v3  }
0xc8: {  	v3 =	vcvt.f32.s32 v3  }
0xc9: {  	v4 =	vsub.s32 v4, v1  }
0xca: {  	[tilespmem:s0+$0x3C00] =	vst v4;
	v3 =	vsub.s32 v3, v1  }
0xcb: {  	[tilespmem:s8+$0x3C00] =	vst v3  }
0xcc: {  	v3 =	vld [tilespmem:$0x6400];
	_ =	sdelay $0x4  }
0xcd: {  	v3 =	vadd.f32 $4.320000000e+04, v3;
	_ =	sdelay $0x1  }
0xce: {  	v3 =	vmax.f32 v3, $0.0e+00  }
0xcf: {  	v3 =	vmin.f32 v3, $3.110399000e+06  }
0xd0: {  	v3 =	vtrunc.f32 v3  }
0xd1: {  	v3 =	vcvt.f32.s32 v3;
	_ =	sdelay $0x1  }
0xd2: {  	v3 =	vsub.s32 v3, v1  }
0xd3: {  	s16 =	sadd.s32 s7, s31;
	s18 =	simm.s32 $0x0;
	[tilespmem:$0x4F78] =	vst v3  }
0xd4: {  	[tilespmem:s24], [sflag:$0x1] =	stream.linear.gather [hbm4b:s16+s18], $0x1388, $0x38;
	[tilespmem:$0x1F930] =	vst v63  }
0xd5: {  	_ =	swait.ge [sflag:s20], $0x1388  }
0xd6: {  	[sflag:s20] =	ssyncset.done $0x0  }
0xd7: {  	[sflag:s20] =	ssyncadd.s32 $0xFFFFEC78  }
0xd8: {  	[spmem:s1] =	stream.indirect.scatter.add.f32 [tilespmem:s24], [sflag:$0x1], $0x1, s26, s25, $0xb8;
	[tilespmem:$0x1F930] =	vst v63  }
0xd9: {  	_ =	swait.ge [sflag:s20], $0x1388  }
0xda: {  	[sflag:s20] =	ssyncset.done $0x0  }
0xdb: {  	s0 =	simm.s32 $0x0;
	[sflag:s20] =	ssyncadd.s32 $0xFFFFEC78  }
0xdc: {  	v3 =	vld [tilespmem:s0+$0x0];
	_ =	sdelay $0x4  }
0xdd: {  	v3 =	vadd.f32 $8.640000000e+04, v3;
	_ =	sdelay $0x1  }
0xde: {  	v3 =	vmax.f32 v3, $0.0e+00  }
0xdf: {  	s8 =	simm.s32 $0x10;
	v3 =	vmin.f32 v3, $3.110399000e+06  }
0xe0: {  	v4 =	vtrunc.f32 v3;
	v3 =	vld [tilespmem:s8+$0x0];
	_ =	sdelay $0x3  }
0xe1: {  	s18 =	simm.s32 $0x80;
	v4 =	vcvt.f32.s32 v4  }
.LBB2_11:
0xe2: {  	s16 =	sshra.s32 s18, $0x2;
	p0 =	sne.s32 s18, $0x4DC0;
	s18 =	sadd.s32 $0x40, s18;
	v5 =	vadd.f32 $8.640000000e+04, v3  }
.Ltmp4:
0xe3: {  	v3 =	vld [tilespmem:s16+$0x0];
	v4 =	vsub.s32 v4, v1;
	(pc) =	sbr.rel @p0 .LBB2_11-.Ltmp4, $4  }
0xe4: {  	v5 =	vmax.f32 v5, $0.0e+00;
	[tilespmem:s0+$0x3C00] =	vst v4;
	s0 =	smov.u32 s8;
	s8 =	smov.u32 s16  }
0xe5: {  	v4 =	vmin.f32 v5, $3.110399000e+06  }
0xe6: {  	v4 =	vtrunc.f32 v4  }
0xe7: {  	v4 =	vcvt.f32.s32 v4  }
0xe8: {  	v3 =	vadd.f32 $8.640000000e+04, v3;
	_ =	sdelay $0x1  }
0xe9: {  	v3 =	vmax.f32 v3, $0.0e+00  }
0xea: {  	v3 =	vmin.f32 v3, $3.110399000e+06  }
0xeb: {  	v3 =	vtrunc.f32 v3  }
0xec: {  	v3 =	vcvt.f32.s32 v3  }
0xed: {  	v4 =	vsub.s32 v4, v1  }
0xee: {  	[tilespmem:s0+$0x3C00] =	vst v4;
	v3 =	vsub.s32 v3, v1  }
0xef: {  	[tilespmem:s8+$0x3C00] =	vst v3  }
0xf0: {  	v3 =	vld [tilespmem:$0x6400];
	_ =	sdelay $0x4  }
0xf1: {  	v3 =	vadd.f32 $8.640000000e+04, v3;
	_ =	sdelay $0x1  }
0xf2: {  	v3 =	vmax.f32 v3, $0.0e+00  }
0xf3: {  	v3 =	vmin.f32 v3, $3.110399000e+06  }
0xf4: {  	v3 =	vtrunc.f32 v3  }
0xf5: {  	v3 =	vcvt.f32.s32 v3;
	_ =	sdelay $0x1  }
0xf6: {  	v3 =	vsub.s32 v3, v1  }
0xf7: {  	s16 =	sadd.s32 s9, s31;
	s18 =	simm.s32 $0x0;
	[tilespmem:$0x4F78] =	vst v3  }
0xf8: {  	[tilespmem:s24], [sflag:$0x1] =	stream.linear.gather [hbm4b:s16+s18], $0x1388, $0x38;
	[tilespmem:$0x1F930] =	vst v63  }
0xf9: {  	_ =	swait.ge [sflag:s20], $0x1388  }
0xfa: {  	[sflag:s20] =	ssyncset.done $0x0  }
0xfb: {  	[sflag:s20] =	ssyncadd.s32 $0xFFFFEC78  }
0xfc: {  	[spmem:s1] =	stream.indirect.scatter.add.f32 [tilespmem:s24], [sflag:$0x1], $0x1, s26, s25, $0xb8;
	[tilespmem:$0x1F930] =	vst v63  }
0xfd: {  	_ =	swait.ge [sflag:s20], $0x1388  }
0xfe: {  	[sflag:s20] =	ssyncset.done $0x0  }
0xff: {  	s0 =	simm.s32 $0x0;
	[sflag:s20] =	ssyncadd.s32 $0xFFFFEC78  }
0x100: {  	v3 =	vld [tilespmem:s0+$0x0];
	_ =	sdelay $0x4  }
0x101: {  	v3 =	vadd.f32 $1.296000000e+05, v3;
	_ =	sdelay $0x1  }
0x102: {  	v3 =	vmax.f32 v3, $0.0e+00  }
0x103: {  	s8 =	simm.s32 $0x10;
	v3 =	vmin.f32 v3, $3.110399000e+06  }
0x104: {  	v4 =	vtrunc.f32 v3;
	v3 =	vld [tilespmem:s8+$0x0];
	_ =	sdelay $0x3  }
0x105: {  	s18 =	simm.s32 $0x80;
	v4 =	vcvt.f32.s32 v4  }
.LBB2_13:
0x106: {  	s16 =	sshra.s32 s18, $0x2;
	p0 =	sne.s32 s18, $0x4DC0;
	s18 =	sadd.s32 $0x40, s18;
	v5 =	vadd.f32 $1.296000000e+05, v3  }
.Ltmp5:
0x107: {  	v3 =	vld [tilespmem:s16+$0x0];
	v4 =	vsub.s32 v4, v1;
	(pc) =	sbr.rel @p0 .LBB2_13-.Ltmp5, $4  }
0x108: {  	v5 =	vmax.f32 v5, $0.0e+00;
	[tilespmem:s0+$0x3C00] =	vst v4;
	s0 =	smov.u32 s8;
	s8 =	smov.u32 s16  }
0x109: {  	v4 =	vmin.f32 v5, $3.110399000e+06  }
0x10a: {  	v4 =	vtrunc.f32 v4  }
0x10b: {  	v4 =	vcvt.f32.s32 v4  }
0x10c: {  	v3 =	vadd.f32 $1.296000000e+05, v3;
	_ =	sdelay $0x1  }
0x10d: {  	v3 =	vmax.f32 v3, $0.0e+00  }
0x10e: {  	v3 =	vmin.f32 v3, $3.110399000e+06  }
0x10f: {  	v3 =	vtrunc.f32 v3  }
0x110: {  	v3 =	vcvt.f32.s32 v3  }
0x111: {  	v4 =	vsub.s32 v4, v1  }
0x112: {  	[tilespmem:s0+$0x3C00] =	vst v4;
	v3 =	vsub.s32 v3, v1  }
0x113: {  	[tilespmem:s8+$0x3C00] =	vst v3  }
0x114: {  	v3 =	vld [tilespmem:$0x6400];
	_ =	sdelay $0x4  }
0x115: {  	v3 =	vadd.f32 $1.296000000e+05, v3;
	_ =	sdelay $0x1  }
0x116: {  	v3 =	vmax.f32 v3, $0.0e+00  }
0x117: {  	v3 =	vmin.f32 v3, $3.110399000e+06  }
0x118: {  	v3 =	vtrunc.f32 v3  }
0x119: {  	v3 =	vcvt.f32.s32 v3;
	_ =	sdelay $0x1  }
0x11a: {  	v3 =	vsub.s32 v3, v1  }
0x11b: {  	s16 =	sadd.s32 s10, s31;
	s18 =	simm.s32 $0x0;
	[tilespmem:$0x4F78] =	vst v3  }
0x11c: {  	[tilespmem:s24], [sflag:$0x1] =	stream.linear.gather [hbm4b:s16+s18], $0x1388, $0x38;
	[tilespmem:$0x1F930] =	vst v63  }
0x11d: {  	_ =	swait.ge [sflag:s20], $0x1388  }
0x11e: {  	[sflag:s20] =	ssyncset.done $0x0  }
0x11f: {  	[sflag:s20] =	ssyncadd.s32 $0xFFFFEC78  }
0x120: {  	[spmem:s1] =	stream.indirect.scatter.add.f32 [tilespmem:s24], [sflag:$0x1], $0x1, s26, s25, $0xb8;
	[tilespmem:$0x1F930] =	vst v63  }
0x121: {  	_ =	swait.ge [sflag:s20], $0x1388  }
0x122: {  	[sflag:s20] =	ssyncset.done $0x0  }
0x123: {  	s0 =	simm.s32 $0x0;
	[sflag:s20] =	ssyncadd.s32 $0xFFFFEC78  }
0x124: {  	v3 =	vld [tilespmem:s0+$0x0];
	_ =	sdelay $0x4  }
0x125: {  	v3 =	vadd.f32 $1.728000000e+05, v3;
	_ =	sdelay $0x1  }
0x126: {  	v3 =	vmax.f32 v3, $0.0e+00  }
0x127: {  	s8 =	simm.s32 $0x10;
	v3 =	vmin.f32 v3, $3.110399000e+06  }
0x128: {  	v4 =	vtrunc.f32 v3;
	v3 =	vld [tilespmem:s8+$0x0];
	_ =	sdelay $0x3  }
0x129: {  	s18 =	simm.s32 $0x80;
	v4 =	vcvt.f32.s32 v4  }
.LBB2_15:
0x12a: {  	s16 =	sshra.s32 s18, $0x2;
	p0 =	sne.s32 s18, $0x4DC0;
	s18 =	sadd.s32 $0x40, s18;
	v5 =	vadd.f32 $1.728000000e+05, v3  }
.Ltmp6:
0x12b: {  	v3 =	vld [tilespmem:s16+$0x0];
	v4 =	vsub.s32 v4, v1;
	(pc) =	sbr.rel @p0 .LBB2_15-.Ltmp6, $4  }
0x12c: {  	v5 =	vmax.f32 v5, $0.0e+00;
	[tilespmem:s0+$0x3C00] =	vst v4;
	s0 =	smov.u32 s8;
	s8 =	smov.u32 s16  }
0x12d: {  	v4 =	vmin.f32 v5, $3.110399000e+06  }
0x12e: {  	v4 =	vtrunc.f32 v4  }
0x12f: {  	v4 =	vcvt.f32.s32 v4  }
0x130: {  	v3 =	vadd.f32 $1.728000000e+05, v3;
	_ =	sdelay $0x1  }
0x131: {  	v3 =	vmax.f32 v3, $0.0e+00  }
0x132: {  	v3 =	vmin.f32 v3, $3.110399000e+06  }
0x133: {  	v3 =	vtrunc.f32 v3  }
0x134: {  	v3 =	vcvt.f32.s32 v3  }
0x135: {  	v4 =	vsub.s32 v4, v1  }
0x136: {  	[tilespmem:s0+$0x3C00] =	vst v4;
	v3 =	vsub.s32 v3, v1  }
0x137: {  	[tilespmem:s8+$0x3C00] =	vst v3  }
0x138: {  	v3 =	vld [tilespmem:$0x6400];
	_ =	sdelay $0x4  }
0x139: {  	v3 =	vadd.f32 $1.728000000e+05, v3;
	_ =	sdelay $0x1  }
0x13a: {  	v3 =	vmax.f32 v3, $0.0e+00  }
0x13b: {  	v3 =	vmin.f32 v3, $3.110399000e+06  }
0x13c: {  	v3 =	vtrunc.f32 v3  }
0x13d: {  	v3 =	vcvt.f32.s32 v3;
	_ =	sdelay $0x1  }
0x13e: {  	v3 =	vsub.s32 v3, v1  }
0x13f: {  	s16 =	sadd.s32 s11, s31;
	s18 =	simm.s32 $0x0;
	[tilespmem:$0x4F78] =	vst v3  }
0x140: {  	[tilespmem:s24], [sflag:$0x1] =	stream.linear.gather [hbm4b:s16+s18], $0x1388, $0x38;
	[tilespmem:$0x1F930] =	vst v63  }
0x141: {  	_ =	swait.ge [sflag:s20], $0x1388  }
0x142: {  	[sflag:s20] =	ssyncset.done $0x0  }
0x143: {  	[sflag:s20] =	ssyncadd.s32 $0xFFFFEC78  }
0x144: {  	[spmem:s1] =	stream.indirect.scatter.add.f32 [tilespmem:s24], [sflag:$0x1], $0x1, s26, s25, $0xb8;
	[tilespmem:$0x1F930] =	vst v63  }
0x145: {  	_ =	swait.ge [sflag:s20], $0x1388  }
0x146: {  	[sflag:s20] =	ssyncset.done $0x0  }
0x147: {  	s0 =	simm.s32 $0x0;
	[sflag:s20] =	ssyncadd.s32 $0xFFFFEC78  }
0x148: {  	v3 =	vld [tilespmem:s0+$0x0];
	_ =	sdelay $0x4  }
0x149: {  	v3 =	vadd.f32 $2.160000000e+05, v3;
	_ =	sdelay $0x1  }
0x14a: {  	v3 =	vmax.f32 v3, $0.0e+00  }
0x14b: {  	s8 =	simm.s32 $0x10;
	v3 =	vmin.f32 v3, $3.110399000e+06  }
0x14c: {  	v4 =	vtrunc.f32 v3;
	v3 =	vld [tilespmem:s8+$0x0];
	_ =	sdelay $0x3  }
0x14d: {  	s18 =	simm.s32 $0x80;
	v4 =	vcvt.f32.s32 v4  }
.LBB2_17:
0x14e: {  	s16 =	sshra.s32 s18, $0x2;
	p0 =	sne.s32 s18, $0x4DC0;
	s18 =	sadd.s32 $0x40, s18;
	v5 =	vadd.f32 $2.160000000e+05, v3  }
.Ltmp7:
0x14f: {  	v3 =	vld [tilespmem:s16+$0x0];
	v4 =	vsub.s32 v4, v1;
	(pc) =	sbr.rel @p0 .LBB2_17-.Ltmp7, $4  }
0x150: {  	v5 =	vmax.f32 v5, $0.0e+00;
	[tilespmem:s0+$0x3C00] =	vst v4;
	s0 =	smov.u32 s8;
	s8 =	smov.u32 s16  }
0x151: {  	v4 =	vmin.f32 v5, $3.110399000e+06  }
0x152: {  	v4 =	vtrunc.f32 v4  }
0x153: {  	v4 =	vcvt.f32.s32 v4  }
0x154: {  	v3 =	vadd.f32 $2.160000000e+05, v3;
	_ =	sdelay $0x1  }
0x155: {  	v3 =	vmax.f32 v3, $0.0e+00  }
0x156: {  	v3 =	vmin.f32 v3, $3.110399000e+06  }
0x157: {  	v3 =	vtrunc.f32 v3  }
0x158: {  	v3 =	vcvt.f32.s32 v3  }
0x159: {  	v4 =	vsub.s32 v4, v1  }
0x15a: {  	[tilespmem:s0+$0x3C00] =	vst v4;
	v3 =	vsub.s32 v3, v1  }
0x15b: {  	[tilespmem:s8+$0x3C00] =	vst v3  }
0x15c: {  	v3 =	vld [tilespmem:$0x6400];
	_ =	sdelay $0x4  }
0x15d: {  	v3 =	vadd.f32 $2.160000000e+05, v3;
	_ =	sdelay $0x1  }
0x15e: {  	v3 =	vmax.f32 v3, $0.0e+00  }
0x15f: {  	v3 =	vmin.f32 v3, $3.110399000e+06  }
0x160: {  	v3 =	vtrunc.f32 v3  }
0x161: {  	v3 =	vcvt.f32.s32 v3;
	_ =	sdelay $0x1  }
0x162: {  	v3 =	vsub.s32 v3, v1  }
0x163: {  	s16 =	sadd.s32 s12, s31;
	s18 =	simm.s32 $0x0;
	[tilespmem:$0x4F78] =	vst v3  }
0x164: {  	[tilespmem:s24], [sflag:$0x1] =	stream.linear.gather [hbm4b:s16+s18], $0x1388, $0x38;
	[tilespmem:$0x1F930] =	vst v63  }
0x165: {  	_ =	swait.ge [sflag:s20], $0x1388  }
0x166: {  	[sflag:s20] =	ssyncset.done $0x0  }
0x167: {  	[sflag:s20] =	ssyncadd.s32 $0xFFFFEC78  }
0x168: {  	[spmem:s1] =	stream.indirect.scatter.add.f32 [tilespmem:s24], [sflag:$0x1], $0x1, s26, s25, $0xb8;
	[tilespmem:$0x1F930] =	vst v63  }
0x169: {  	_ =	swait.ge [sflag:s20], $0x1388  }
0x16a: {  	[sflag:s20] =	ssyncset.done $0x0  }
0x16b: {  	s0 =	simm.s32 $0x0;
	[sflag:s20] =	ssyncadd.s32 $0xFFFFEC78  }
0x16c: {  	v3 =	vld [tilespmem:s0+$0x0];
	_ =	sdelay $0x4  }
0x16d: {  	v3 =	vadd.f32 $2.592000000e+05, v3;
	_ =	sdelay $0x1  }
0x16e: {  	v3 =	vmax.f32 v3, $0.0e+00  }
0x16f: {  	s8 =	simm.s32 $0x10;
	v3 =	vmin.f32 v3, $3.110399000e+06  }
0x170: {  	v4 =	vtrunc.f32 v3;
	v3 =	vld [tilespmem:s8+$0x0];
	_ =	sdelay $0x3  }
0x171: {  	s18 =	simm.s32 $0x80;
	v4 =	vcvt.f32.s32 v4  }
.LBB2_19:
0x172: {  	s16 =	sshra.s32 s18, $0x2;
	p0 =	sne.s32 s18, $0x4DC0;
	s18 =	sadd.s32 $0x40, s18;
	v5 =	vadd.f32 $2.592000000e+05, v3  }
.Ltmp8:
0x173: {  	v3 =	vld [tilespmem:s16+$0x0];
	v4 =	vsub.s32 v4, v1;
	(pc) =	sbr.rel @p0 .LBB2_19-.Ltmp8, $4  }
0x174: {  	v5 =	vmax.f32 v5, $0.0e+00;
	[tilespmem:s0+$0x3C00] =	vst v4;
	s0 =	smov.u32 s8;
	s8 =	smov.u32 s16  }
0x175: {  	v4 =	vmin.f32 v5, $3.110399000e+06  }
0x176: {  	v4 =	vtrunc.f32 v4  }
0x177: {  	v4 =	vcvt.f32.s32 v4  }
0x178: {  	v3 =	vadd.f32 $2.592000000e+05, v3;
	_ =	sdelay $0x1  }
0x179: {  	v3 =	vmax.f32 v3, $0.0e+00  }
0x17a: {  	v3 =	vmin.f32 v3, $3.110399000e+06  }
0x17b: {  	v3 =	vtrunc.f32 v3  }
0x17c: {  	v3 =	vcvt.f32.s32 v3  }
0x17d: {  	v4 =	vsub.s32 v4, v1  }
0x17e: {  	[tilespmem:s0+$0x3C00] =	vst v4;
	v3 =	vsub.s32 v3, v1  }
0x17f: {  	[tilespmem:s8+$0x3C00] =	vst v3  }
0x180: {  	v3 =	vld [tilespmem:$0x6400];
	_ =	sdelay $0x4  }
0x181: {  	v3 =	vadd.f32 $2.592000000e+05, v3;
	_ =	sdelay $0x1  }
0x182: {  	v3 =	vmax.f32 v3, $0.0e+00  }
0x183: {  	v3 =	vmin.f32 v3, $3.110399000e+06  }
0x184: {  	v3 =	vtrunc.f32 v3  }
0x185: {  	v3 =	vcvt.f32.s32 v3;
	_ =	sdelay $0x1  }
0x186: {  	v3 =	vsub.s32 v3, v1  }
0x187: {  	s16 =	sadd.s32 s13, s31;
	s18 =	simm.s32 $0x0;
	[tilespmem:$0x4F78] =	vst v3  }
0x188: {  	[tilespmem:s24], [sflag:$0x1] =	stream.linear.gather [hbm4b:s16+s18], $0x1388, $0x38;
	[tilespmem:$0x1F930] =	vst v63  }
0x189: {  	_ =	swait.ge [sflag:s20], $0x1388  }
0x18a: {  	[sflag:s20] =	ssyncset.done $0x0  }
0x18b: {  	[sflag:s20] =	ssyncadd.s32 $0xFFFFEC78  }
0x18c: {  	[spmem:s1] =	stream.indirect.scatter.add.f32 [tilespmem:s24], [sflag:$0x1], $0x1, s26, s25, $0xb8;
	[tilespmem:$0x1F930] =	vst v63  }
0x18d: {  	_ =	swait.ge [sflag:s20], $0x1388  }
0x18e: {  	[sflag:s20] =	ssyncset.done $0x0  }
0x18f: {  	s0 =	simm.s32 $0x0;
	[sflag:s20] =	ssyncadd.s32 $0xFFFFEC78  }
0x190: {  	v3 =	vld [tilespmem:s0+$0x0];
	_ =	sdelay $0x4  }
0x191: {  	v3 =	vadd.f32 $3.024000000e+05, v3;
	_ =	sdelay $0x1  }
0x192: {  	v3 =	vmax.f32 v3, $0.0e+00  }
0x193: {  	s8 =	simm.s32 $0x10;
	v3 =	vmin.f32 v3, $3.110399000e+06  }
0x194: {  	v4 =	vtrunc.f32 v3;
	v3 =	vld [tilespmem:s8+$0x0];
	_ =	sdelay $0x3  }
0x195: {  	s18 =	simm.s32 $0x80;
	v4 =	vcvt.f32.s32 v4  }
.LBB2_21:
0x196: {  	s16 =	sshra.s32 s18, $0x2;
	p0 =	sne.s32 s18, $0x4DC0;
	s18 =	sadd.s32 $0x40, s18;
	v5 =	vadd.f32 $3.024000000e+05, v3  }
.Ltmp9:
0x197: {  	v3 =	vld [tilespmem:s16+$0x0];
	v4 =	vsub.s32 v4, v1;
	(pc) =	sbr.rel @p0 .LBB2_21-.Ltmp9, $4  }
0x198: {  	v5 =	vmax.f32 v5, $0.0e+00;
	[tilespmem:s0+$0x3C00] =	vst v4;
	s0 =	smov.u32 s8;
	s8 =	smov.u32 s16  }
0x199: {  	v4 =	vmin.f32 v5, $3.110399000e+06  }
0x19a: {  	v4 =	vtrunc.f32 v4  }
0x19b: {  	v4 =	vcvt.f32.s32 v4  }
0x19c: {  	v3 =	vadd.f32 $3.024000000e+05, v3;
	_ =	sdelay $0x1  }
0x19d: {  	v3 =	vmax.f32 v3, $0.0e+00  }
0x19e: {  	v3 =	vmin.f32 v3, $3.110399000e+06  }
0x19f: {  	v3 =	vtrunc.f32 v3  }
0x1a0: {  	v3 =	vcvt.f32.s32 v3  }
0x1a1: {  	v4 =	vsub.s32 v4, v1  }
0x1a2: {  	[tilespmem:s0+$0x3C00] =	vst v4;
	v3 =	vsub.s32 v3, v1  }
0x1a3: {  	[tilespmem:s8+$0x3C00] =	vst v3  }
0x1a4: {  	v3 =	vld [tilespmem:$0x6400];
	_ =	sdelay $0x4  }
0x1a5: {  	v3 =	vadd.f32 $3.024000000e+05, v3;
	_ =	sdelay $0x1  }
0x1a6: {  	v3 =	vmax.f32 v3, $0.0e+00  }
0x1a7: {  	v3 =	vmin.f32 v3, $3.110399000e+06  }
0x1a8: {  	v3 =	vtrunc.f32 v3  }
0x1a9: {  	v3 =	vcvt.f32.s32 v3;
	_ =	sdelay $0x1  }
0x1aa: {  	v3 =	vsub.s32 v3, v1  }
0x1ab: {  	s16 =	sadd.s32 s14, s31;
	s18 =	simm.s32 $0x0;
	[tilespmem:$0x4F78] =	vst v3  }
0x1ac: {  	[tilespmem:s24], [sflag:$0x1] =	stream.linear.gather [hbm4b:s16+s18], $0x1388, $0x38;
	[tilespmem:$0x1F930] =	vst v63  }
0x1ad: {  	_ =	swait.ge [sflag:s20], $0x1388  }
0x1ae: {  	[sflag:s20] =	ssyncset.done $0x0  }
0x1af: {  	[sflag:s20] =	ssyncadd.s32 $0xFFFFEC78  }
0x1b0: {  	[spmem:s1] =	stream.indirect.scatter.add.f32 [tilespmem:s24], [sflag:$0x1], $0x1, s26, s25, $0xb8;
	[tilespmem:$0x1F930] =	vst v63  }
0x1b1: {  	_ =	swait.ge [sflag:s20], $0x1388  }
0x1b2: {  	[sflag:s20] =	ssyncset.done $0x0  }
0x1b3: {  	s0 =	simm.s32 $0x0;
	[sflag:s20] =	ssyncadd.s32 $0xFFFFEC78  }
0x1b4: {  	v3 =	vld [tilespmem:s0+$0x0];
	_ =	sdelay $0x4  }
0x1b5: {  	v3 =	vadd.f32 $3.456000000e+05, v3;
	_ =	sdelay $0x1  }
0x1b6: {  	v3 =	vmax.f32 v3, $0.0e+00  }
0x1b7: {  	s8 =	simm.s32 $0x10;
	v3 =	vmin.f32 v3, $3.110399000e+06  }
0x1b8: {  	v4 =	vtrunc.f32 v3;
	v3 =	vld [tilespmem:s8+$0x0];
	_ =	sdelay $0x3  }
0x1b9: {  	s18 =	simm.s32 $0x80;
	v4 =	vcvt.f32.s32 v4  }
.LBB2_23:
0x1ba: {  	s16 =	sshra.s32 s18, $0x2;
	p0 =	sne.s32 s18, $0x4DC0;
	s18 =	sadd.s32 $0x40, s18;
	v5 =	vadd.f32 $3.456000000e+05, v3  }
.Ltmp10:
0x1bb: {  	v3 =	vld [tilespmem:s16+$0x0];
	v4 =	vsub.s32 v4, v1;
	(pc) =	sbr.rel @p0 .LBB2_23-.Ltmp10, $4  }
0x1bc: {  	v5 =	vmax.f32 v5, $0.0e+00;
	[tilespmem:s0+$0x3C00] =	vst v4;
	s0 =	smov.u32 s8;
	s8 =	smov.u32 s16  }
0x1bd: {  	v4 =	vmin.f32 v5, $3.110399000e+06  }
0x1be: {  	v4 =	vtrunc.f32 v4  }
0x1bf: {  	v4 =	vcvt.f32.s32 v4  }
0x1c0: {  	v3 =	vadd.f32 $3.456000000e+05, v3;
	_ =	sdelay $0x1  }
0x1c1: {  	v3 =	vmax.f32 v3, $0.0e+00  }
0x1c2: {  	v3 =	vmin.f32 v3, $3.110399000e+06  }
0x1c3: {  	v3 =	vtrunc.f32 v3  }
0x1c4: {  	v3 =	vcvt.f32.s32 v3  }
0x1c5: {  	v4 =	vsub.s32 v4, v1  }
0x1c6: {  	[tilespmem:s0+$0x3C00] =	vst v4;
	v3 =	vsub.s32 v3, v1  }
0x1c7: {  	[tilespmem:s8+$0x3C00] =	vst v3  }
0x1c8: {  	v3 =	vld [tilespmem:$0x6400];
	_ =	sdelay $0x4  }
0x1c9: {  	v3 =	vadd.f32 $3.456000000e+05, v3;
	_ =	sdelay $0x1  }
0x1ca: {  	v3 =	vmax.f32 v3, $0.0e+00  }
0x1cb: {  	v3 =	vmin.f32 v3, $3.110399000e+06  }
0x1cc: {  	v3 =	vtrunc.f32 v3  }
0x1cd: {  	v3 =	vcvt.f32.s32 v3;
	_ =	sdelay $0x1  }
0x1ce: {  	v3 =	vsub.s32 v3, v1  }
0x1cf: {  	s31 =	sadd.s32 s15, s31;
	[tilespmem:$0x4F78] =	vst v3  }
0x1d0: {  	[tilespmem:s24], [sflag:$0x1] =	stream.linear.gather [hbm4b:s31+s2], $0x1388, $0x38;
	[tilespmem:$0x1F930] =	vst v63  }
0x1d1: {  	s30 =	sadd.s32 $0x1, s30;
	_ =	swait.ge [sflag:s20], $0x1388  }
0x1d2: {  	p0 =	sne.s32 s30, $0x5;
	[sflag:s20] =	ssyncset.done $0x0  }
.Ltmp11:
0x1d3: {  	[sflag:s20] =	ssyncadd.s32 $0xFFFFEC78;
	(pc) =	sbr.rel @p0 .LBB2_4-.Ltmp11, $4  }
0x1d4: {  	[spmem:s1] =	stream.indirect.scatter.add.f32 [tilespmem:s24], [sflag:$0x1], $0x1, s26, s25, $0xb8;
	[tilespmem:$0x1F930] =	vst v63  }
0x1d5: {  	_ =	swait.ge [sflag:s20], $0x1388  }
0x1d6: {  	[sflag:s20] =	ssyncset.done $0x0  }
0x1d7: {  	[sflag:s20] =	ssyncadd.s32 $0xFFFFEC78  }
0x1d8: {  	[bflag:$0x0] =	sbarrier.arrive $0xFFFF  }
0x1d9: {  	s29 =	rddreg [dreg:$0x4]  }
0x1da: {  	[tilespmem:s19], [sflag:$0x1] =	stream.linear.gather [spmem:s29], $0x1950, $0x38;
	[tilespmem:$0x1F930] =	vst v63  }
0x1db: {  	_ =	swait.ge [sflag:s20], $0x1950  }
0x1dc: {  	[sflag:s20] =	ssyncset.done $0x0  }
0x1dd: {  	s0 =	sadd.s32 $0x0, s22;
	[sflag:s20] =	ssyncadd.s32 $0xFFFFE6B0  }
0x1de: {  	[hbm4b:s0+s2] =	stream.linear.scatter [tilespmem:s19], [sflag:$0x1], $0x1950, $0x38;
	[tilespmem:$0x1F930] =	vst v63  }
0x1df: {  	_ =	swait.ge [sflag:s20], $0x1950  }
0x1e0: {  	s8 =	smov.u32 s29;
	s0 =	simm.s32 $0x32A;
	[sflag:s20] =	ssyncset.done $0x0  }
.LBB2_26:
0x1e1: {  	p0 =	sne.s32 s0, $0x2C4C;
	[sflag:s20] =	ssyncadd.s32 $0xFFFFE6B0;
	s8 =	sadd.s32 $0x1950, s8  }
0x1e2: {  	[tilespmem:s19], [sflag:$0x1] =	stream.linear.gather [spmem:s8], $0x1950, $0x38;
	[tilespmem:$0x1F930] =	vst v63  }
0x1e3: {  	s16 =	smov.u32 s0;
	s0 =	sadd.s32 $0x32A, s0;
	_ =	swait.ge [sflag:s20], $0x1950  }
.Ltmp12:
0x1e4: {  	[sflag:s20] =	ssyncset.done $0x0;
	(pc) =	sbr.rel @p0 .LBB2_26-.Ltmp12, $4  }
0x1e5: {  	s16 =	sadd.s32 s16, s22;
	[sflag:s20] =	ssyncadd.s32 $0xFFFFE6B0  }
0x1e6: {  	[hbm4b:s16+s2] =	stream.linear.scatter [tilespmem:s19], [sflag:$0x1], $0x1950, $0x38;
	[tilespmem:$0x1F930] =	vst v63  }
0x1e7: {  	_ =	swait.ge [sflag:s20], $0x1950  }
0x1e8: {  	[sflag:s20] =	ssyncset.done $0x0  }
0x1e9: {  	s28 =	sadd.s32 $0x1, s28;
	s0 =	rddreg [dreg:$0x5]  }
0x1ea: {  	p0 =	sne.s32 s28, s0  }
.Ltmp13:
0x1eb: {  	_ = 	snop;
	(pc) =	sbr.rel @p0 .LBB2_1-.Ltmp13, $2  }
0x1ec: {  	_ =	sdelay $0x2  }
0x1ed: {  	[sflag:s20] =	ssyncadd.s32 $0xFFFFE6B0  }
0x1ee: {  	_ =	sfence.sel $0x180000  }
0x1ef: {  	[bflag:$0x0] =	sbarrier.arrive $0xFFFF  }
0x1f0: {  	_ =	strace $0x90000047  }
0x1f1: {  	s0 =	stileid.u32;
	[bflag:$0x2] =	sbarrier.arrive $0xFFFF  }
0x1f2: {  	p0 =	sne.s32 s0, $0x0;
	s0 =	rddreg [dreg:$0x3]  }
0x1f3: {  	s0 =	sadd.s32 @!p0 $0x100000, s0  }
0x1f4: {  	[sflag:s0] =	ssyncadd.tile.s32 @!p0 $0x1;
	_ =	shalt  }
.Lfunc_end2:
_tile_overlayer_lowered:
.L_overlay_start_2:
0x1f5: {  	(tag) =	ssettag $0x2  }
0x1f6: {  	s0 =	rddreg [dreg:$0x0];
	s2 =	stileid.u32  }
0x1f7: {  	s1 =	rddreg [dreg:$0x1];
	p0 =	sne.s32 s2, $0x0  }
0x1f8: {  	s3 =	rddreg [dreg:$0x2];
	[bflag:$0x3] =	sbarrier.arrive $0xFFFF;
	s2 =	simm.s32 @!p0 $0x1C01  }
0x1f9: {  	[timem:s3], [sflag:s2] =	dma.local @!p0 [hbm:s0], s1  }
0x1fa: {  	s0 =	simm.s32 @!p0 $0x1  }
0x1fb: {  	_ =	swait.ge @!p0 [sflag:s0], s1  }
0x1fc: {  	s1 =	ssub.s32 @!p0 $0x0, s1;
	[sflag:s0] =	ssyncset.done @!p0 $0x0  }
0x1fd: {  	[sflag:s0] =	ssyncadd.s32 @!p0 s1  }
0x1fe: {  	[bflag:$0x3] =	sbarrier.arrive $0xFFFF  }
0x1ff: {  	_ =	shalt  }

</sc_bundles>
